<compile_context>
chip_gen: v7x
topology: tpu7x:2x2x1
jax: 0.10.2.dev20260603
libtpu: 0.0.44.dev20260713+nightly
codegen_flags: <defaults>
</compile_context>

<pallas_src>
import functools

import jax
import jax.numpy as jnp
from jax import lax
from jax.experimental import pallas as pl
from jax.experimental.pallas import tpu as pltpu
from jax.experimental.pallas import tpu_sc as plsc

_VOCAB = 100000
_EMBED = 32
_BATCH = 1024
_CTX = 20

_NC = 2
_NS = 16
_NW = _NC * _NS
_B_PER_W = _BATCH // _NW
_IDX_PER_W = _B_PER_W * _CTX
_IDX_CHUNK = 128
_N_CHUNKS = _IDX_PER_W // _IDX_CHUNK
_LANES = 16


_ROW_PITCH = 128
_T_TILE = 2048


_T_STEPS = pl.cdiv(_VOCAB, _T_TILE)
_T_TAIL = _VOCAB - (_T_STEPS - 1) * _T_TILE
_T_SLOTS = 4


def _pad_body(in_ref, o_hbm, buf, sem):
    i = pl.program_id(0)
    slot = lax.rem(i, _T_SLOTS)

    def _cp(step, slot_, rows):
        return pltpu.make_async_copy(
            buf.at[slot_, pl.ds(0, rows)],
            o_hbm.at[pl.ds(step * _T_TILE, rows)],
            sem.at[slot_],
        )

    @pl.when(i >= _T_SLOTS)
    def _():
        _cp(i - _T_SLOTS, slot, _T_TILE).wait()

    buf[slot, :, pl.ds(0, _EMBED)] = lax.transpose(
        in_ref[:, pl.ds(i * _T_TILE, _T_TILE)], (1, 0))

    @pl.when(i < _T_STEPS - 1)
    def _():
        _cp(i, slot, _T_TILE).start()

    @pl.when(i == _T_STEPS - 1)
    def _():
        _cp(i, slot, _T_TAIL).start()
        for back in range(_T_SLOTS - 1, 0, -1):
            _cp(i - back, lax.rem(i - back, _T_SLOTS), _T_TILE).wait()
        _cp(i, slot, _T_TAIL).wait()


def _stage_table(emb_t):
    return pl.pallas_call(
        _pad_body,
        grid=(_T_STEPS,),
        in_specs=[pl.BlockSpec((_EMBED, _VOCAB), lambda i: (0, 0))],
        out_specs=pl.BlockSpec(memory_space=pltpu.HBM),
        out_shape=jax.ShapeDtypeStruct((_VOCAB, _ROW_PITCH), jnp.float32),
        scratch_shapes=[
            pltpu.VMEM((_T_SLOTS, _T_TILE, _ROW_PITCH), jnp.float32),
            pltpu.SemaphoreType.DMA((_T_SLOTS,)),
        ],
    )(emb_t)


def _sc_gather_mean(idx_grouped, table_padded):
    mesh = plsc.VectorSubcoreMesh(core_axis_name="c", subcore_axis_name="s")

    @functools.partial(
        pl.kernel,
        mesh=mesh,
        out_type=jax.ShapeDtypeStruct((_BATCH, _EMBED), jnp.float32),
        compiler_params=pltpu.CompilerParams(use_tc_tiling_on_sc=False),
        scratch_types=[
            pltpu.VMEM((_N_CHUNKS, _IDX_CHUNK), jnp.int32),
            pltpu.VMEM((_IDX_PER_W, _ROW_PITCH), jnp.float32),
            pltpu.VMEM((_B_PER_W, _EMBED), jnp.float32),
            pltpu.SemaphoreType.DMA,
        ],
    )
    def body(idx_hbm, table_hbm, x_hbm, idx_v, rows_v, out_v, sem):
        wid = lax.axis_index("s") * _NC + lax.axis_index("c")
        pltpu.sync_copy(idx_hbm.at[wid], idx_v)
        copies = [
            pltpu.async_copy(
                table_hbm.at[idx_v.at[j]],
                rows_v.at[pl.ds(j * _IDX_CHUNK, _IDX_CHUNK)],
                sem,
            )
            for j in range(_N_CHUNKS)
        ]
        for c in copies:
            c.wait()

        scale = jnp.float32(1.0 / _CTX)

        def accum(i, carry):
            base = i * _CTX
            acc0 = rows_v[base, pl.ds(0, _LANES)]
            acc1 = rows_v[base, pl.ds(_LANES, _LANES)]
            for j in range(1, _CTX):
                acc0 = acc0 + rows_v[base + j, pl.ds(0, _LANES)]
                acc1 = acc1 + rows_v[base + j, pl.ds(_LANES, _LANES)]
            out_v[i, pl.ds(0, _LANES)] = acc0 * scale
            out_v[i, pl.ds(_LANES, _LANES)] = acc1 * scale
            return carry

        lax.fori_loop(0, _B_PER_W, accum, 0)
        pltpu.sync_copy(out_v, x_hbm.at[pl.ds(wid * _B_PER_W, _B_PER_W)])

    return body(idx_grouped, table_padded)


_TILE_V = 2048


def _mm_body(x_ref, wt_ref, o_ref):
    o_ref[...] = lax.dot_general(
        wt_ref[...], x_ref[...],
        (((0,), (1,)), ((), ())),
        preferred_element_type=jnp.float32,
    )


def _tc_project(x1, Wb):
    k = x1.shape[1]
    out_t = pl.pallas_call(
        _mm_body,
        grid=(pl.cdiv(_VOCAB, _TILE_V),),
        in_specs=[
            pl.BlockSpec((_BATCH, k), lambda i: (0, 0)),
            pl.BlockSpec((k, _TILE_V), lambda i: (0, i)),
        ],
        out_specs=pl.BlockSpec((_TILE_V, _BATCH), lambda i: (i, 0)),
        out_shape=jax.ShapeDtypeStruct((_VOCAB, _BATCH), jnp.float32),
    )(x1, Wb)
    return out_t.T


def kernel(inputs, emb_table, W, b):
    idx_grouped = inputs.astype(jnp.int32).reshape(_NW, _N_CHUNKS, _IDX_CHUNK)
    Wb = jnp.concatenate([W.T, b[None, :]], axis=0)
    x = _sc_gather_mean(idx_grouped, _stage_table(emb_table.T))
    x1 = jnp.concatenate([x, jnp.ones((_BATCH, 1), jnp.float32)], axis=1)
    return _tc_project(x1, Wb)

# --- scband reference (transcript-rebuilt; emitter-appended) ---
"""Pipeline reference for scband-cbow-78365973283442 (READ-ONLY COPY).

The authoritative reference and input builder live on the scoring server;
editing this copy changes nothing except your own understanding.
"""

import jax, jax.numpy as jnp
import numpy as np

VOCAB = 100000
EMBED = 32
BATCH = 1024
CTX = 20

def setup_inputs(seed: int = 0) -> dict:
    key = jax.random.key(seed)
    k1, k2, k3, k4 = jax.random.split(key, 4)
    inputs = jax.random.randint(k1, (BATCH, CTX), 0, VOCAB, dtype=jnp.int64)
    emb_table = jax.random.normal(k2, (VOCAB, EMBED), dtype=jnp.float32) * 0.02
    W = jax.random.normal(k3, (VOCAB, EMBED), dtype=jnp.float32) * 0.02
    b = jnp.zeros((VOCAB,), dtype=jnp.float32)
    return {"inputs": inputs, "emb_table": emb_table, "W": W, "b": b}

def reference(inputs, emb_table, W, b):
    # embedding lookup: gather rows of the table
    embedded = jnp.take(emb_table, inputs, axis=0)  # [B, CTX, EMBED]
    # mean over the context window (axis=1), matching torch.mean(..., axis=1)
    embedded = jnp.mean(embedded, axis=1)  # [B, EMBED]
    # linear projection to vocab logits (nn.Linear: x @ W.T + b)
    output = embedded @ W.T + b  # [B, VOCAB]
    return output

if __name__ == "__main__":
    import jax
    _d = setup_inputs()
    print(jax.jit(kernel)(*tuple(_d.values())))

</pallas_src>

<mosaic_0001>
#map = affine_map<(d0, d1) -> (0, 0, 0)>
#map1 = affine_map<(d0, d1) -> (0, 0)>
module attributes {stable_mosaic.version = 14 : i64} {
  func.func @body(%arg0: i32, %arg1: i32, %arg2: memref<32x5x128xi32, #tpu.memory_space<hbm>>, %arg3: memref<100000x128xf32, #tpu.memory_space<hbm>>, %arg4: memref<1024x32xf32, #tpu.memory_space<hbm>>, %arg5: memref<5x128xi32, #tpu.memory_space<vmem>>, %arg6: memref<640x128xf32, #tpu.memory_space<vmem>>, %arg7: memref<32x32xf32, #tpu.memory_space<vmem>>, %arg8: memref<!tpu.dma_semaphore, #tpu.memory_space<semaphore_mem>>) attributes {dimension_semantics = [#tpu.dimension_semantics<core_parallel>, #tpu.dimension_semantics<subcore_parallel>], iteration_bounds = array<i64: 2, 16>, scalar_prefetch = 0 : i64, scratch_operands = 4 : i64, tpu.core_type = #tpu.core_type<sc_vector_subcore>, window_params = [{transform_indices = #map}, {transform_indices = #map1}, {transform_indices = #map1}]} {
    %mul3A = arith.constant 2 : i32
    %mul3A_0 = arith.muli %arg1, %mul3A : i32
    %add3A = arith.addi %mul3A_0, %arg0 : i32
    "tpu.region"() ({
      %run_scoped3A = tpu.sem_alloc : memref<!tpu.dma_semaphore, #tpu.memory_space<semaphore_mem>>
      %dma_start3A_107 = arith.constant 0 : i32
      %dma_start3A_108 = arith.constant 0 : i32
      %dma_start3A_109 = tpu.memref_slice %arg2[%add3A, %dma_start3A_107, %dma_start3A_108] : memref<32x5x128xi32, #tpu.memory_space<hbm>> -> memref<1x5x128xi32, #tpu.memory_space<hbm>>
      %dma_start3A_110 = tpu.memref_squeeze %dma_start3A_109 : memref<1x5x128xi32, #tpu.memory_space<hbm>> -> memref<5x128xi32, #tpu.memory_space<hbm>>
      %dma_start3A_111 = arith.constant 0 : i32
      %dma_start3A_112 = arith.constant 0 : i32
      %dma_start3A_113 = tpu.memref_slice %arg2[%add3A, %dma_start3A_111, %dma_start3A_112] : memref<32x5x128xi32, #tpu.memory_space<hbm>> -> memref<1x5x128xi32, #tpu.memory_space<hbm>>
      %dma_start3A_114 = tpu.memref_squeeze %dma_start3A_113 : memref<1x5x128xi32, #tpu.memory_space<hbm>> -> memref<5x128xi32, #tpu.memory_space<hbm>>
      tpu.enqueue_dma source(%dma_start3A_114 : memref<5x128xi32, #tpu.memory_space<hbm>>) target(%arg5 : memref<5x128xi32, #tpu.memory_space<vmem>>) target_semaphore(%run_scoped3A : memref<!tpu.dma_semaphore, #tpu.memory_space<semaphore_mem>>)
      %dma_wait3A_115 = arith.constant 0 : i32
      %dma_wait3A_116 = arith.constant 0 : i32
      %dma_wait3A_117 = tpu.memref_slice %arg2[%add3A, %dma_wait3A_115, %dma_wait3A_116] : memref<32x5x128xi32, #tpu.memory_space<hbm>> -> memref<1x5x128xi32, #tpu.memory_space<hbm>>
      %dma_wait3A_118 = tpu.memref_squeeze %dma_wait3A_117 : memref<1x5x128xi32, #tpu.memory_space<hbm>> -> memref<5x128xi32, #tpu.memory_space<hbm>>
      %dma_wait3A_119 = arith.constant 0 : i32
      %dma_wait3A_120 = arith.constant 0 : i32
      %dma_wait3A_121 = tpu.memref_slice %arg2[%add3A, %dma_wait3A_119, %dma_wait3A_120] : memref<32x5x128xi32, #tpu.memory_space<hbm>> -> memref<1x5x128xi32, #tpu.memory_space<hbm>>
      %dma_wait3A_122 = tpu.memref_squeeze %dma_wait3A_121 : memref<1x5x128xi32, #tpu.memory_space<hbm>> -> memref<5x128xi32, #tpu.memory_space<hbm>>
      tpu.wait_dma2 semaphore(%run_scoped3A : memref<!tpu.dma_semaphore, #tpu.memory_space<semaphore_mem>>) src(%dma_wait3A_122 : memref<5x128xi32, #tpu.memory_space<hbm>>) dst(%arg5 : memref<5x128xi32, #tpu.memory_space<vmem>>)
      tpu.yield
    }) : () -> ()
    %dma_start3A = arith.constant 0 : i32
    %dma_start3A_1 = arith.constant 0 : i32
    %dma_start3A_2 = arith.constant 0 : i32
    %dma_start3A_3 = tpu.memref_slice %arg6[%dma_start3A_1, %dma_start3A_2] : memref<640x128xf32, #tpu.memory_space<vmem>> -> memref<128x128xf32, #tpu.memory_space<vmem>>
    %dma_start3A_4 = arith.constant 0 : i32
    %dma_start3A_5 = tpu.memref_slice %arg5[%dma_start3A, %dma_start3A_4] : memref<5x128xi32, #tpu.memory_space<vmem>> -> memref<1x128xi32, #tpu.memory_space<vmem>>
    %dma_start3A_6 = tpu.memref_squeeze %dma_start3A_5 : memref<1x128xi32, #tpu.memory_space<vmem>> -> memref<128xi32, #tpu.memory_space<vmem>>
    %dma_start3A_7 = arith.constant 0 : i32
    %dma_start3A_8 = arith.constant 0 : i32
    %dma_start3A_9 = tpu.memref_slice %arg3[%dma_start3A_7, %dma_start3A_8] : memref<100000x128xf32, #tpu.memory_space<hbm>> -> memref<100000x128xf32, #tpu.memory_space<hbm>>
    tpu.enqueue_indirect_dma source(%dma_start3A_9 : memref<100000x128xf32, #tpu.memory_space<hbm>>) target(%dma_start3A_3 : memref<128x128xf32, #tpu.memory_space<vmem>>) offsets(%dma_start3A_6 : memref<128xi32, #tpu.memory_space<vmem>>) semaphore(%arg8 : memref<!tpu.dma_semaphore, #tpu.memory_space<semaphore_mem>>)
    %dma_start3A_10 = arith.constant 1 : i32
    %dma_start3A_11 = arith.constant 128 : i32
    %dma_start3A_12 = arith.constant 0 : i32
    %dma_start3A_13 = tpu.memref_slice %arg6[%dma_start3A_11, %dma_start3A_12] : memref<640x128xf32, #tpu.memory_space<vmem>> -> memref<128x128xf32, #tpu.memory_space<vmem>>
    %dma_start3A_14 = arith.constant 0 : i32
    %dma_start3A_15 = tpu.memref_slice %arg5[%dma_start3A_10, %dma_start3A_14] : memref<5x128xi32, #tpu.memory_space<vmem>> -> memref<1x128xi32, #tpu.memory_space<vmem>>
    %dma_start3A_16 = tpu.memref_squeeze %dma_start3A_15 : memref<1x128xi32, #tpu.memory_space<vmem>> -> memref<128xi32, #tpu.memory_space<vmem>>
    %dma_start3A_17 = arith.constant 0 : i32
    %dma_start3A_18 = arith.constant 0 : i32
    %dma_start3A_19 = tpu.memref_slice %arg3[%dma_start3A_17, %dma_start3A_18] : memref<100000x128xf32, #tpu.memory_space<hbm>> -> memref<100000x128xf32, #tpu.memory_space<hbm>>
    tpu.enqueue_indirect_dma source(%dma_start3A_19 : memref<100000x128xf32, #tpu.memory_space<hbm>>) target(%dma_start3A_13 : memref<128x128xf32, #tpu.memory_space<vmem>>) offsets(%dma_start3A_16 : memref<128xi32, #tpu.memory_space<vmem>>) semaphore(%arg8 : memref<!tpu.dma_semaphore, #tpu.memory_space<semaphore_mem>>)
    %dma_start3A_20 = arith.constant 2 : i32
    %dma_start3A_21 = arith.constant 256 : i32
    %dma_start3A_22 = arith.constant 0 : i32
    %dma_start3A_23 = tpu.memref_slice %arg6[%dma_start3A_21, %dma_start3A_22] : memref<640x128xf32, #tpu.memory_space<vmem>> -> memref<128x128xf32, #tpu.memory_space<vmem>>
    %dma_start3A_24 = arith.constant 0 : i32
    %dma_start3A_25 = tpu.memref_slice %arg5[%dma_start3A_20, %dma_start3A_24] : memref<5x128xi32, #tpu.memory_space<vmem>> -> memref<1x128xi32, #tpu.memory_space<vmem>>
    %dma_start3A_26 = tpu.memref_squeeze %dma_start3A_25 : memref<1x128xi32, #tpu.memory_space<vmem>> -> memref<128xi32, #tpu.memory_space<vmem>>
    %dma_start3A_27 = arith.constant 0 : i32
    %dma_start3A_28 = arith.constant 0 : i32
    %dma_start3A_29 = tpu.memref_slice %arg3[%dma_start3A_27, %dma_start3A_28] : memref<100000x128xf32, #tpu.memory_space<hbm>> -> memref<100000x128xf32, #tpu.memory_space<hbm>>
    tpu.enqueue_indirect_dma source(%dma_start3A_29 : memref<100000x128xf32, #tpu.memory_space<hbm>>) target(%dma_start3A_23 : memref<128x128xf32, #tpu.memory_space<vmem>>) offsets(%dma_start3A_26 : memref<128xi32, #tpu.memory_space<vmem>>) semaphore(%arg8 : memref<!tpu.dma_semaphore, #tpu.memory_space<semaphore_mem>>)
    %dma_start3A_30 = arith.constant 3 : i32
    %dma_start3A_31 = arith.constant 384 : i32
    %dma_start3A_32 = arith.constant 0 : i32
    %dma_start3A_33 = tpu.memref_slice %arg6[%dma_start3A_31, %dma_start3A_32] : memref<640x128xf32, #tpu.memory_space<vmem>> -> memref<128x128xf32, #tpu.memory_space<vmem>>
    %dma_start3A_34 = arith.constant 0 : i32
    %dma_start3A_35 = tpu.memref_slice %arg5[%dma_start3A_30, %dma_start3A_34] : memref<5x128xi32, #tpu.memory_space<vmem>> -> memref<1x128xi32, #tpu.memory_space<vmem>>
    %dma_start3A_36 = tpu.memref_squeeze %dma_start3A_35 : memref<1x128xi32, #tpu.memory_space<vmem>> -> memref<128xi32, #tpu.memory_space<vmem>>
    %dma_start3A_37 = arith.constant 0 : i32
    %dma_start3A_38 = arith.constant 0 : i32
    %dma_start3A_39 = tpu.memref_slice %arg3[%dma_start3A_37, %dma_start3A_38] : memref<100000x128xf32, #tpu.memory_space<hbm>> -> memref<100000x128xf32, #tpu.memory_space<hbm>>
    tpu.enqueue_indirect_dma source(%dma_start3A_39 : memref<100000x128xf32, #tpu.memory_space<hbm>>) target(%dma_start3A_33 : memref<128x128xf32, #tpu.memory_space<vmem>>) offsets(%dma_start3A_36 : memref<128xi32, #tpu.memory_space<vmem>>) semaphore(%arg8 : memref<!tpu.dma_semaphore, #tpu.memory_space<semaphore_mem>>)
    %dma_start3A_40 = arith.constant 4 : i32
    %dma_start3A_41 = arith.constant 512 : i32
    %dma_start3A_42 = arith.constant 0 : i32
    %dma_start3A_43 = tpu.memref_slice %arg6[%dma_start3A_41, %dma_start3A_42] : memref<640x128xf32, #tpu.memory_space<vmem>> -> memref<128x128xf32, #tpu.memory_space<vmem>>
    %dma_start3A_44 = arith.constant 0 : i32
    %dma_start3A_45 = tpu.memref_slice %arg5[%dma_start3A_40, %dma_start3A_44] : memref<5x128xi32, #tpu.memory_space<vmem>> -> memref<1x128xi32, #tpu.memory_space<vmem>>
    %dma_start3A_46 = tpu.memref_squeeze %dma_start3A_45 : memref<1x128xi32, #tpu.memory_space<vmem>> -> memref<128xi32, #tpu.memory_space<vmem>>
    %dma_start3A_47 = arith.constant 0 : i32
    %dma_start3A_48 = arith.constant 0 : i32
    %dma_start3A_49 = tpu.memref_slice %arg3[%dma_start3A_47, %dma_start3A_48] : memref<100000x128xf32, #tpu.memory_space<hbm>> -> memref<100000x128xf32, #tpu.memory_space<hbm>>
    tpu.enqueue_indirect_dma source(%dma_start3A_49 : memref<100000x128xf32, #tpu.memory_space<hbm>>) target(%dma_start3A_43 : memref<128x128xf32, #tpu.memory_space<vmem>>) offsets(%dma_start3A_46 : memref<128xi32, #tpu.memory_space<vmem>>) semaphore(%arg8 : memref<!tpu.dma_semaphore, #tpu.memory_space<semaphore_mem>>)
    %dma_wait3A = arith.constant 0 : i32
    %dma_wait3A_50 = arith.constant 0 : i32
    %dma_wait3A_51 = arith.constant 0 : i32
    %dma_wait3A_52 = tpu.memref_slice %arg6[%dma_wait3A_50, %dma_wait3A_51] : memref<640x128xf32, #tpu.memory_space<vmem>> -> memref<128x128xf32, #tpu.memory_space<vmem>>
    %dma_wait3A_53 = arith.constant 0 : i32
    %dma_wait3A_54 = tpu.memref_slice %arg5[%dma_wait3A, %dma_wait3A_53] : memref<5x128xi32, #tpu.memory_space<vmem>> -> memref<1x128xi32, #tpu.memory_space<vmem>>
    %dma_wait3A_55 = tpu.memref_squeeze %dma_wait3A_54 : memref<1x128xi32, #tpu.memory_space<vmem>> -> memref<128xi32, #tpu.memory_space<vmem>>
    %dma_wait3A_56 = arith.constant 0 : i32
    %dma_wait3A_57 = arith.constant 0 : i32
    %dma_wait3A_58 = tpu.memref_slice %arg3[%dma_wait3A_56, %dma_wait3A_57] : memref<100000x128xf32, #tpu.memory_space<hbm>> -> memref<100000x128xf32, #tpu.memory_space<hbm>>
    tpu.wait_indirect_dma semaphore(%arg8 : memref<!tpu.dma_semaphore, #tpu.memory_space<semaphore_mem>>) src(%dma_wait3A_58 : memref<100000x128xf32, #tpu.memory_space<hbm>>) dst(%dma_wait3A_52 : memref<128x128xf32, #tpu.memory_space<vmem>>)
    %dma_wait3A_59 = arith.constant 1 : i32
    %dma_wait3A_60 = arith.constant 128 : i32
    %dma_wait3A_61 = arith.constant 0 : i32
    %dma_wait3A_62 = tpu.memref_slice %arg6[%dma_wait3A_60, %dma_wait3A_61] : memref<640x128xf32, #tpu.memory_space<vmem>> -> memref<128x128xf32, #tpu.memory_space<vmem>>
    %dma_wait3A_63 = arith.constant 0 : i32
    %dma_wait3A_64 = tpu.memref_slice %arg5[%dma_wait3A_59, %dma_wait3A_63] : memref<5x128xi32, #tpu.memory_space<vmem>> -> memref<1x128xi32, #tpu.memory_space<vmem>>
    %dma_wait3A_65 = tpu.memref_squeeze %dma_wait3A_64 : memref<1x128xi32, #tpu.memory_space<vmem>> -> memref<128xi32, #tpu.memory_space<vmem>>
    %dma_wait3A_66 = arith.constant 0 : i32
    %dma_wait3A_67 = arith.constant 0 : i32
    %dma_wait3A_68 = tpu.memref_slice %arg3[%dma_wait3A_66, %dma_wait3A_67] : memref<100000x128xf32, #tpu.memory_space<hbm>> -> memref<100000x128xf32, #tpu.memory_space<hbm>>
    tpu.wait_indirect_dma semaphore(%arg8 : memref<!tpu.dma_semaphore, #tpu.memory_space<semaphore_mem>>) src(%dma_wait3A_68 : memref<100000x128xf32, #tpu.memory_space<hbm>>) dst(%dma_wait3A_62 : memref<128x128xf32, #tpu.memory_space<vmem>>)
    %dma_wait3A_69 = arith.constant 2 : i32
    %dma_wait3A_70 = arith.constant 256 : i32
    %dma_wait3A_71 = arith.constant 0 : i32
    %dma_wait3A_72 = tpu.memref_slice %arg6[%dma_wait3A_70, %dma_wait3A_71] : memref<640x128xf32, #tpu.memory_space<vmem>> -> memref<128x128xf32, #tpu.memory_space<vmem>>
    %dma_wait3A_73 = arith.constant 0 : i32
    %dma_wait3A_74 = tpu.memref_slice %arg5[%dma_wait3A_69, %dma_wait3A_73] : memref<5x128xi32, #tpu.memory_space<vmem>> -> memref<1x128xi32, #tpu.memory_space<vmem>>
    %dma_wait3A_75 = tpu.memref_squeeze %dma_wait3A_74 : memref<1x128xi32, #tpu.memory_space<vmem>> -> memref<128xi32, #tpu.memory_space<vmem>>
    %dma_wait3A_76 = arith.constant 0 : i32
    %dma_wait3A_77 = arith.constant 0 : i32
    %dma_wait3A_78 = tpu.memref_slice %arg3[%dma_wait3A_76, %dma_wait3A_77] : memref<100000x128xf32, #tpu.memory_space<hbm>> -> memref<100000x128xf32, #tpu.memory_space<hbm>>
    tpu.wait_indirect_dma semaphore(%arg8 : memref<!tpu.dma_semaphore, #tpu.memory_space<semaphore_mem>>) src(%dma_wait3A_78 : memref<100000x128xf32, #tpu.memory_space<hbm>>) dst(%dma_wait3A_72 : memref<128x128xf32, #tpu.memory_space<vmem>>)
    %dma_wait3A_79 = arith.constant 3 : i32
    %dma_wait3A_80 = arith.constant 384 : i32
    %dma_wait3A_81 = arith.constant 0 : i32
    %dma_wait3A_82 = tpu.memref_slice %arg6[%dma_wait3A_80, %dma_wait3A_81] : memref<640x128xf32, #tpu.memory_space<vmem>> -> memref<128x128xf32, #tpu.memory_space<vmem>>
    %dma_wait3A_83 = arith.constant 0 : i32
    %dma_wait3A_84 = tpu.memref_slice %arg5[%dma_wait3A_79, %dma_wait3A_83] : memref<5x128xi32, #tpu.memory_space<vmem>> -> memref<1x128xi32, #tpu.memory_space<vmem>>
    %dma_wait3A_85 = tpu.memref_squeeze %dma_wait3A_84 : memref<1x128xi32, #tpu.memory_space<vmem>> -> memref<128xi32, #tpu.memory_space<vmem>>
    %dma_wait3A_86 = arith.constant 0 : i32
    %dma_wait3A_87 = arith.constant 0 : i32
    %dma_wait3A_88 = tpu.memref_slice %arg3[%dma_wait3A_86, %dma_wait3A_87] : memref<100000x128xf32, #tpu.memory_space<hbm>> -> memref<100000x128xf32, #tpu.memory_space<hbm>>
    tpu.wait_indirect_dma semaphore(%arg8 : memref<!tpu.dma_semaphore, #tpu.memory_space<semaphore_mem>>) src(%dma_wait3A_88 : memref<100000x128xf32, #tpu.memory_space<hbm>>) dst(%dma_wait3A_82 : memref<128x128xf32, #tpu.memory_space<vmem>>)
    %dma_wait3A_89 = arith.constant 4 : i32
    %dma_wait3A_90 = arith.constant 512 : i32
    %dma_wait3A_91 = arith.constant 0 : i32
    %dma_wait3A_92 = tpu.memref_slice %arg6[%dma_wait3A_90, %dma_wait3A_91] : memref<640x128xf32, #tpu.memory_space<vmem>> -> memref<128x128xf32, #tpu.memory_space<vmem>>
    %dma_wait3A_93 = arith.constant 0 : i32
    %dma_wait3A_94 = tpu.memref_slice %arg5[%dma_wait3A_89, %dma_wait3A_93] : memref<5x128xi32, #tpu.memory_space<vmem>> -> memref<1x128xi32, #tpu.memory_space<vmem>>
    %dma_wait3A_95 = tpu.memref_squeeze %dma_wait3A_94 : memref<1x128xi32, #tpu.memory_space<vmem>> -> memref<128xi32, #tpu.memory_space<vmem>>
    %dma_wait3A_96 = arith.constant 0 : i32
    %dma_wait3A_97 = arith.constant 0 : i32
    %dma_wait3A_98 = tpu.memref_slice %arg3[%dma_wait3A_96, %dma_wait3A_97] : memref<100000x128xf32, #tpu.memory_space<hbm>> -> memref<100000x128xf32, #tpu.memory_space<hbm>>
    tpu.wait_indirect_dma semaphore(%arg8 : memref<!tpu.dma_semaphore, #tpu.memory_space<semaphore_mem>>) src(%dma_wait3A_98 : memref<100000x128xf32, #tpu.memory_space<hbm>>) dst(%dma_wait3A_92 : memref<128x128xf32, #tpu.memory_space<vmem>>)
    %scan3A = arith.constant 0 : i32
    %scan3A_99 = arith.constant 5.000000e-02 : f32
    %scan3A_100 = arith.constant 0 : i32
    %scan3A_101 = arith.constant 32 : i32
    %scan3A_102 = arith.addi %scan3A_100, %scan3A_101 : i32
    %scan3A_103 = arith.constant 1 : i32
    scf.for %scan3A_107 = %scan3A_100 to %scan3A_102 step %scan3A_103  : i32 {
      %mul3A_108 = arith.constant 20 : i32
      %mul3A_109 = arith.muli %scan3A_107, %mul3A_108 : i32
      %get3A = arith.index_cast %mul3A_109 : i32 to index
      %get3A_110 = arith.constant 0 : index
      %get3A_111 = tpu.vector_load %arg6[%get3A, %get3A_110] {strides = array<i32>} : memref<640x128xf32, #tpu.memory_space<vmem>>, vector<1x16xf32>,
      %get3A_112 = vector.shape_cast %get3A_111 : vector<1x16xf32> to vector<16xf32>
      %get3A_113 = arith.index_cast %mul3A_109 : i32 to index
      %get3A_114 = arith.constant 16 : index
      %get3A_115 = tpu.vector_load %arg6[%get3A_113, %get3A_114] {strides = array<i32>} : memref<640x128xf32, #tpu.memory_space<vmem>>, vector<1x16xf32>,
      %get3A_116 = vector.shape_cast %get3A_115 : vector<1x16xf32> to vector<16xf32>
      %add3A_117 = arith.constant 1 : i32
      %add3A_118 = arith.addi %mul3A_109, %add3A_117 : i32
      %get3A_119 = arith.index_cast %add3A_118 : i32 to index
      %get3A_120 = arith.constant 0 : index
      %get3A_121 = tpu.vector_load %arg6[%get3A_119, %get3A_120] {strides = array<i32>} : memref<640x128xf32, #tpu.memory_space<vmem>>, vector<1x16xf32>,
      %get3A_122 = vector.shape_cast %get3A_121 : vector<1x16xf32> to vector<16xf32>
      %add3A_123 = arith.addf %get3A_112, %get3A_122 : vector<16xf32>
      %add3A_124 = arith.constant 1 : i32
      %add3A_125 = arith.addi %mul3A_109, %add3A_124 : i32
      %get3A_126 = arith.index_cast %add3A_125 : i32 to index
      %get3A_127 = arith.constant 16 : index
      %get3A_128 = tpu.vector_load %arg6[%get3A_126, %get3A_127] {strides = array<i32>} : memref<640x128xf32, #tpu.memory_space<vmem>>, vector<1x16xf32>,
      %get3A_129 = vector.shape_cast %get3A_128 : vector<1x16xf32> to vector<16xf32>
      %add3A_130 = arith.addf %get3A_116, %get3A_129 : vector<16xf32>
      %add3A_131 = arith.constant 2 : i32
      %add3A_132 = arith.addi %mul3A_109, %add3A_131 : i32
      %get3A_133 = arith.index_cast %add3A_132 : i32 to index
      %get3A_134 = arith.constant 0 : index
      %get3A_135 = tpu.vector_load %arg6[%get3A_133, %get3A_134] {strides = array<i32>} : memref<640x128xf32, #tpu.memory_space<vmem>>, vector<1x16xf32>,
      %get3A_136 = vector.shape_cast %get3A_135 : vector<1x16xf32> to vector<16xf32>
      %add3A_137 = arith.addf %add3A_123, %get3A_136 : vector<16xf32>
      %add3A_138 = arith.constant 2 : i32
      %add3A_139 = arith.addi %mul3A_109, %add3A_138 : i32
      %get3A_140 = arith.index_cast %add3A_139 : i32 to index
      %get3A_141 = arith.constant 16 : index
      %get3A_142 = tpu.vector_load %arg6[%get3A_140, %get3A_141] {strides = array<i32>} : memref<640x128xf32, #tpu.memory_space<vmem>>, vector<1x16xf32>,
      %get3A_143 = vector.shape_cast %get3A_142 : vector<1x16xf32> to vector<16xf32>
      %add3A_144 = arith.addf %add3A_130, %get3A_143 : vector<16xf32>
      %add3A_145 = arith.constant 3 : i32
      %add3A_146 = arith.addi %mul3A_109, %add3A_145 : i32
      %get3A_147 = arith.index_cast %add3A_146 : i32 to index
      %get3A_148 = arith.constant 0 : index
      %get3A_149 = tpu.vector_load %arg6[%get3A_147, %get3A_148] {strides = array<i32>} : memref<640x128xf32, #tpu.memory_space<vmem>>, vector<1x16xf32>,
      %get3A_150 = vector.shape_cast %get3A_149 : vector<1x16xf32> to vector<16xf32>
      %add3A_151 = arith.addf %add3A_137, %get3A_150 : vector<16xf32>
      %add3A_152 = arith.constant 3 : i32
      %add3A_153 = arith.addi %mul3A_109, %add3A_152 : i32
      %get3A_154 = arith.index_cast %add3A_153 : i32 to index
      %get3A_155 = arith.constant 16 : index
      %get3A_156 = tpu.vector_load %arg6[%get3A_154, %get3A_155] {strides = array<i32>} : memref<640x128xf32, #tpu.memory_space<vmem>>, vector<1x16xf32>,
      %get3A_157 = vector.shape_cast %get3A_156 : vector<1x16xf32> to vector<16xf32>
      %add3A_158 = arith.addf %add3A_144, %get3A_157 : vector<16xf32>
      %add3A_159 = arith.constant 4 : i32
      %add3A_160 = arith.addi %mul3A_109, %add3A_159 : i32
      %get3A_161 = arith.index_cast %add3A_160 : i32 to index
      %get3A_162 = arith.constant 0 : index
      %get3A_163 = tpu.vector_load %arg6[%get3A_161, %get3A_162] {strides = array<i32>} : memref<640x128xf32, #tpu.memory_space<vmem>>, vector<1x16xf32>,
      %get3A_164 = vector.shape_cast %get3A_163 : vector<1x16xf32> to vector<16xf32>
      %add3A_165 = arith.addf %add3A_151, %get3A_164 : vector<16xf32>
      %add3A_166 = arith.constant 4 : i32
      %add3A_167 = arith.addi %mul3A_109, %add3A_166 : i32
      %get3A_168 = arith.index_cast %add3A_167 : i32 to index
      %get3A_169 = arith.constant 16 : index
      %get3A_170 = tpu.vector_load %arg6[%get3A_168, %get3A_169] {strides = array<i32>} : memref<640x128xf32, #tpu.memory_space<vmem>>, vector<1x16xf32>,
      %get3A_171 = vector.shape_cast %get3A_170 : vector<1x16xf32> to vector<16xf32>
      %add3A_172 = arith.addf %add3A_158, %get3A_171 : vector<16xf32>
      %add3A_173 = arith.constant 5 : i32
      %add3A_174 = arith.addi %mul3A_109, %add3A_173 : i32
      %get3A_175 = arith.index_cast %add3A_174 : i32 to index
      %get3A_176 = arith.constant 0 : index
      %get3A_177 = tpu.vector_load %arg6[%get3A_175, %get3A_176] {strides = array<i32>} : memref<640x128xf32, #tpu.memory_space<vmem>>, vector<1x16xf32>,
      %get3A_178 = vector.shape_cast %get3A_177 : vector<1x16xf32> to vector<16xf32>
      %add3A_179 = arith.addf %add3A_165, %get3A_178 : vector<16xf32>
      %add3A_180 = arith.constant 5 : i32
      %add3A_181 = arith.addi %mul3A_109, %add3A_180 : i32
      %get3A_182 = arith.index_cast %add3A_181 : i32 to index
      %get3A_183 = arith.constant 16 : index
      %get3A_184 = tpu.vector_load %arg6[%get3A_182, %get3A_183] {strides = array<i32>} : memref<640x128xf32, #tpu.memory_space<vmem>>, vector<1x16xf32>,
      %get3A_185 = vector.shape_cast %get3A_184 : vector<1x16xf32> to vector<16xf32>
      %add3A_186 = arith.addf %add3A_172, %get3A_185 : vector<16xf32>
      %add3A_187 = arith.constant 6 : i32
      %add3A_188 = arith.addi %mul3A_109, %add3A_187 : i32
      %get3A_189 = arith.index_cast %add3A_188 : i32 to index
      %get3A_190 = arith.constant 0 : index
      %get3A_191 = tpu.vector_load %arg6[%get3A_189, %get3A_190] {strides = array<i32>} : memref<640x128xf32, #tpu.memory_space<vmem>>, vector<1x16xf32>,
      %get3A_192 = vector.shape_cast %get3A_191 : vector<1x16xf32> to vector<16xf32>
      %add3A_193 = arith.addf %add3A_179, %get3A_192 : vector<16xf32>
      %add3A_194 = arith.constant 6 : i32
      %add3A_195 = arith.addi %mul3A_109, %add3A_194 : i32
      %get3A_196 = arith.index_cast %add3A_195 : i32 to index
      %get3A_197 = arith.constant 16 : index
      %get3A_198 = tpu.vector_load %arg6[%get3A_196, %get3A_197] {strides = array<i32>} : memref<640x128xf32, #tpu.memory_space<vmem>>, vector<1x16xf32>,
      %get3A_199 = vector.shape_cast %get3A_198 : vector<1x16xf32> to vector<16xf32>
      %add3A_200 = arith.addf %add3A_186, %get3A_199 : vector<16xf32>
      %add3A_201 = arith.constant 7 : i32
      %add3A_202 = arith.addi %mul3A_109, %add3A_201 : i32
      %get3A_203 = arith.index_cast %add3A_202 : i32 to index
      %get3A_204 = arith.constant 0 : index
      %get3A_205 = tpu.vector_load %arg6[%get3A_203, %get3A_204] {strides = array<i32>} : memref<640x128xf32, #tpu.memory_space<vmem>>, vector<1x16xf32>,
      %get3A_206 = vector.shape_cast %get3A_205 : vector<1x16xf32> to vector<16xf32>
      %add3A_207 = arith.addf %add3A_193, %get3A_206 : vector<16xf32>
      %add3A_208 = arith.constant 7 : i32
      %add3A_209 = arith.addi %mul3A_109, %add3A_208 : i32
      %get3A_210 = arith.index_cast %add3A_209 : i32 to index
      %get3A_211 = arith.constant 16 : index
      %get3A_212 = tpu.vector_load %arg6[%get3A_210, %get3A_211] {strides = array<i32>} : memref<640x128xf32, #tpu.memory_space<vmem>>, vector<1x16xf32>,
      %get3A_213 = vector.shape_cast %get3A_212 : vector<1x16xf32> to vector<16xf32>
      %add3A_214 = arith.addf %add3A_200, %get3A_213 : vector<16xf32>
      %add3A_215 = arith.constant 8 : i32
      %add3A_216 = arith.addi %mul3A_109, %add3A_215 : i32
      %get3A_217 = arith.index_cast %add3A_216 : i32 to index
      %get3A_218 = arith.constant 0 : index
      %get3A_219 = tpu.vector_load %arg6[%get3A_217, %get3A_218] {strides = array<i32>} : memref<640x128xf32, #tpu.memory_space<vmem>>, vector<1x16xf32>,
      %get3A_220 = vector.shape_cast %get3A_219 : vector<1x16xf32> to vector<16xf32>
      %add3A_221 = arith.addf %add3A_207, %get3A_220 : vector<16xf32>
      %add3A_222 = arith.constant 8 : i32
      %add3A_223 = arith.addi %mul3A_109, %add3A_222 : i32
      %get3A_224 = arith.index_cast %add3A_223 : i32 to index
      %get3A_225 = arith.constant 16 : index
      %get3A_226 = tpu.vector_load %arg6[%get3A_224, %get3A_225] {strides = array<i32>} : memref<640x128xf32, #tpu.memory_space<vmem>>, vector<1x16xf32>,
      %get3A_227 = vector.shape_cast %get3A_226 : vector<1x16xf32> to vector<16xf32>
      %add3A_228 = arith.addf %add3A_214, %get3A_227 : vector<16xf32>
      %add3A_229 = arith.constant 9 : i32
      %add3A_230 = arith.addi %mul3A_109, %add3A_229 : i32
      %get3A_231 = arith.index_cast %add3A_230 : i32 to index
      %get3A_232 = arith.constant 0 : index
      %get3A_233 = tpu.vector_load %arg6[%get3A_231, %get3A_232] {strides = array<i32>} : memref<640x128xf32, #tpu.memory_space<vmem>>, vector<1x16xf32>,
      %get3A_234 = vector.shape_cast %get3A_233 : vector<1x16xf32> to vector<16xf32>
      %add3A_235 = arith.addf %add3A_221, %get3A_234 : vector<16xf32>
      %add3A_236 = arith.constant 9 : i32
      %add3A_237 = arith.addi %mul3A_109, %add3A_236 : i32
      %get3A_238 = arith.index_cast %add3A_237 : i32 to index
      %get3A_239 = arith.constant 16 : index
      %get3A_240 = tpu.vector_load %arg6[%get3A_238, %get3A_239] {strides = array<i32>} : memref<640x128xf32, #tpu.memory_space<vmem>>, vector<1x16xf32>,
      %get3A_241 = vector.shape_cast %get3A_240 : vector<1x16xf32> to vector<16xf32>
      %add3A_242 = arith.addf %add3A_228, %get3A_241 : vector<16xf32>
      %add3A_243 = arith.constant 10 : i32
      %add3A_244 = arith.addi %mul3A_109, %add3A_243 : i32
      %get3A_245 = arith.index_cast %add3A_244 : i32 to index
      %get3A_246 = arith.constant 0 : index
      %get3A_247 = tpu.vector_load %arg6[%get3A_245, %get3A_246] {strides = array<i32>} : memref<640x128xf32, #tpu.memory_space<vmem>>, vector<1x16xf32>,
      %get3A_248 = vector.shape_cast %get3A_247 : vector<1x16xf32> to vector<16xf32>
      %add3A_249 = arith.addf %add3A_235, %get3A_248 : vector<16xf32>
      %add3A_250 = arith.constant 10 : i32
      %add3A_251 = arith.addi %mul3A_109, %add3A_250 : i32
      %get3A_252 = arith.index_cast %add3A_251 : i32 to index
      %get3A_253 = arith.constant 16 : index
      %get3A_254 = tpu.vector_load %arg6[%get3A_252, %get3A_253] {strides = array<i32>} : memref<640x128xf32, #tpu.memory_space<vmem>>, vector<1x16xf32>,
      %get3A_255 = vector.shape_cast %get3A_254 : vector<1x16xf32> to vector<16xf32>
      %add3A_256 = arith.addf %add3A_242, %get3A_255 : vector<16xf32>
      %add3A_257 = arith.constant 11 : i32
      %add3A_258 = arith.addi %mul3A_109, %add3A_257 : i32
      %get3A_259 = arith.index_cast %add3A_258 : i32 to index
      %get3A_260 = arith.constant 0 : index
      %get3A_261 = tpu.vector_load %arg6[%get3A_259, %get3A_260] {strides = array<i32>} : memref<640x128xf32, #tpu.memory_space<vmem>>, vector<1x16xf32>,
      %get3A_262 = vector.shape_cast %get3A_261 : vector<1x16xf32> to vector<16xf32>
      %add3A_263 = arith.addf %add3A_249, %get3A_262 : vector<16xf32>
      %add3A_264 = arith.constant 11 : i32
      %add3A_265 = arith.addi %mul3A_109, %add3A_264 : i32
      %get3A_266 = arith.index_cast %add3A_265 : i32 to index
      %get3A_267 = arith.constant 16 : index
      %get3A_268 = tpu.vector_load %arg6[%get3A_266, %get3A_267] {strides = array<i32>} : memref<640x128xf32, #tpu.memory_space<vmem>>, vector<1x16xf32>,
      %get3A_269 = vector.shape_cast %get3A_268 : vector<1x16xf32> to vector<16xf32>
      %add3A_270 = arith.addf %add3A_256, %get3A_269 : vector<16xf32>
      %add3A_271 = arith.constant 12 : i32
      %add3A_272 = arith.addi %mul3A_109, %add3A_271 : i32
      %get3A_273 = arith.index_cast %add3A_272 : i32 to index
      %get3A_274 = arith.constant 0 : index
      %get3A_275 = tpu.vector_load %arg6[%get3A_273, %get3A_274] {strides = array<i32>} : memref<640x128xf32, #tpu.memory_space<vmem>>, vector<1x16xf32>,
      %get3A_276 = vector.shape_cast %get3A_275 : vector<1x16xf32> to vector<16xf32>
      %add3A_277 = arith.addf %add3A_263, %get3A_276 : vector<16xf32>
      %add3A_278 = arith.constant 12 : i32
      %add3A_279 = arith.addi %mul3A_109, %add3A_278 : i32
      %get3A_280 = arith.index_cast %add3A_279 : i32 to index
      %get3A_281 = arith.constant 16 : index
      %get3A_282 = tpu.vector_load %arg6[%get3A_280, %get3A_281] {strides = array<i32>} : memref<640x128xf32, #tpu.memory_space<vmem>>, vector<1x16xf32>,
      %get3A_283 = vector.shape_cast %get3A_282 : vector<1x16xf32> to vector<16xf32>
      %add3A_284 = arith.addf %add3A_270, %get3A_283 : vector<16xf32>
      %add3A_285 = arith.constant 13 : i32
      %add3A_286 = arith.addi %mul3A_109, %add3A_285 : i32
      %get3A_287 = arith.index_cast %add3A_286 : i32 to index
      %get3A_288 = arith.constant 0 : index
      %get3A_289 = tpu.vector_load %arg6[%get3A_287, %get3A_288] {strides = array<i32>} : memref<640x128xf32, #tpu.memory_space<vmem>>, vector<1x16xf32>,
      %get3A_290 = vector.shape_cast %get3A_289 : vector<1x16xf32> to vector<16xf32>
      %add3A_291 = arith.addf %add3A_277, %get3A_290 : vector<16xf32>
      %add3A_292 = arith.constant 13 : i32
      %add3A_293 = arith.addi %mul3A_109, %add3A_292 : i32
      %get3A_294 = arith.index_cast %add3A_293 : i32 to index
      %get3A_295 = arith.constant 16 : index
      %get3A_296 = tpu.vector_load %arg6[%get3A_294, %get3A_295] {strides = array<i32>} : memref<640x128xf32, #tpu.memory_space<vmem>>, vector<1x16xf32>,
      %get3A_297 = vector.shape_cast %get3A_296 : vector<1x16xf32> to vector<16xf32>
      %add3A_298 = arith.addf %add3A_284, %get3A_297 : vector<16xf32>
      %add3A_299 = arith.constant 14 : i32
      %add3A_300 = arith.addi %mul3A_109, %add3A_299 : i32
      %get3A_301 = arith.index_cast %add3A_300 : i32 to index
      %get3A_302 = arith.constant 0 : index
      %get3A_303 = tpu.vector_load %arg6[%get3A_301, %get3A_302] {strides = array<i32>} : memref<640x128xf32, #tpu.memory_space<vmem>>, vector<1x16xf32>,
      %get3A_304 = vector.shape_cast %get3A_303 : vector<1x16xf32> to vector<16xf32>
      %add3A_305 = arith.addf %add3A_291, %get3A_304 : vector<16xf32>
      %add3A_306 = arith.constant 14 : i32
      %add3A_307 = arith.addi %mul3A_109, %add3A_306 : i32
      %get3A_308 = arith.index_cast %add3A_307 : i32 to index
      %get3A_309 = arith.constant 16 : index
      %get3A_310 = tpu.vector_load %arg6[%get3A_308, %get3A_309] {strides = array<i32>} : memref<640x128xf32, #tpu.memory_space<vmem>>, vector<1x16xf32>,
      %get3A_311 = vector.shape_cast %get3A_310 : vector<1x16xf32> to vector<16xf32>
      %add3A_312 = arith.addf %add3A_298, %get3A_311 : vector<16xf32>
      %add3A_313 = arith.constant 15 : i32
      %add3A_314 = arith.addi %mul3A_109, %add3A_313 : i32
      %get3A_315 = arith.index_cast %add3A_314 : i32 to index
      %get3A_316 = arith.constant 0 : index
      %get3A_317 = tpu.vector_load %arg6[%get3A_315, %get3A_316] {strides = array<i32>} : memref<640x128xf32, #tpu.memory_space<vmem>>, vector<1x16xf32>,
      %get3A_318 = vector.shape_cast %get3A_317 : vector<1x16xf32> to vector<16xf32>
      %add3A_319 = arith.addf %add3A_305, %get3A_318 : vector<16xf32>
      %add3A_320 = arith.constant 15 : i32
      %add3A_321 = arith.addi %mul3A_109, %add3A_320 : i32
      %get3A_322 = arith.index_cast %add3A_321 : i32 to index
      %get3A_323 = arith.constant 16 : index
      %get3A_324 = tpu.vector_load %arg6[%get3A_322, %get3A_323] {strides = array<i32>} : memref<640x128xf32, #tpu.memory_space<vmem>>, vector<1x16xf32>,
      %get3A_325 = vector.shape_cast %get3A_324 : vector<1x16xf32> to vector<16xf32>
      %add3A_326 = arith.addf %add3A_312, %get3A_325 : vector<16xf32>
      %add3A_327 = arith.constant 16 : i32
      %add3A_328 = arith.addi %mul3A_109, %add3A_327 : i32
      %get3A_329 = arith.index_cast %add3A_328 : i32 to index
      %get3A_330 = arith.constant 0 : index
      %get3A_331 = tpu.vector_load %arg6[%get3A_329, %get3A_330] {strides = array<i32>} : memref<640x128xf32, #tpu.memory_space<vmem>>, vector<1x16xf32>,
      %get3A_332 = vector.shape_cast %get3A_331 : vector<1x16xf32> to vector<16xf32>
      %add3A_333 = arith.addf %add3A_319, %get3A_332 : vector<16xf32>
      %add3A_334 = arith.constant 16 : i32
      %add3A_335 = arith.addi %mul3A_109, %add3A_334 : i32
      %get3A_336 = arith.index_cast %add3A_335 : i32 to index
      %get3A_337 = arith.constant 16 : index
      %get3A_338 = tpu.vector_load %arg6[%get3A_336, %get3A_337] {strides = array<i32>} : memref<640x128xf32, #tpu.memory_space<vmem>>, vector<1x16xf32>,
      %get3A_339 = vector.shape_cast %get3A_338 : vector<1x16xf32> to vector<16xf32>
      %add3A_340 = arith.addf %add3A_326, %get3A_339 : vector<16xf32>
      %add3A_341 = arith.constant 17 : i32
      %add3A_342 = arith.addi %mul3A_109, %add3A_341 : i32
      %get3A_343 = arith.index_cast %add3A_342 : i32 to index
      %get3A_344 = arith.constant 0 : index
      %get3A_345 = tpu.vector_load %arg6[%get3A_343, %get3A_344] {strides = array<i32>} : memref<640x128xf32, #tpu.memory_space<vmem>>, vector<1x16xf32>,
      %get3A_346 = vector.shape_cast %get3A_345 : vector<1x16xf32> to vector<16xf32>
      %add3A_347 = arith.addf %add3A_333, %get3A_346 : vector<16xf32>
      %add3A_348 = arith.constant 17 : i32
      %add3A_349 = arith.addi %mul3A_109, %add3A_348 : i32
      %get3A_350 = arith.index_cast %add3A_349 : i32 to index
      %get3A_351 = arith.constant 16 : index
      %get3A_352 = tpu.vector_load %arg6[%get3A_350, %get3A_351] {strides = array<i32>} : memref<640x128xf32, #tpu.memory_space<vmem>>, vector<1x16xf32>,
      %get3A_353 = vector.shape_cast %get3A_352 : vector<1x16xf32> to vector<16xf32>
      %add3A_354 = arith.addf %add3A_340, %get3A_353 : vector<16xf32>
      %add3A_355 = arith.constant 18 : i32
      %add3A_356 = arith.addi %mul3A_109, %add3A_355 : i32
      %get3A_357 = arith.index_cast %add3A_356 : i32 to index
      %get3A_358 = arith.constant 0 : index
      %get3A_359 = tpu.vector_load %arg6[%get3A_357, %get3A_358] {strides = array<i32>} : memref<640x128xf32, #tpu.memory_space<vmem>>, vector<1x16xf32>,
      %get3A_360 = vector.shape_cast %get3A_359 : vector<1x16xf32> to vector<16xf32>
      %add3A_361 = arith.addf %add3A_347, %get3A_360 : vector<16xf32>
      %add3A_362 = arith.constant 18 : i32
      %add3A_363 = arith.addi %mul3A_109, %add3A_362 : i32
      %get3A_364 = arith.index_cast %add3A_363 : i32 to index
      %get3A_365 = arith.constant 16 : index
      %get3A_366 = tpu.vector_load %arg6[%get3A_364, %get3A_365] {strides = array<i32>} : memref<640x128xf32, #tpu.memory_space<vmem>>, vector<1x16xf32>,
      %get3A_367 = vector.shape_cast %get3A_366 : vector<1x16xf32> to vector<16xf32>
      %add3A_368 = arith.addf %add3A_354, %get3A_367 : vector<16xf32>
      %add3A_369 = arith.constant 19 : i32
      %add3A_370 = arith.addi %mul3A_109, %add3A_369 : i32
      %get3A_371 = arith.index_cast %add3A_370 : i32 to index
      %get3A_372 = arith.constant 0 : index
      %get3A_373 = tpu.vector_load %arg6[%get3A_371, %get3A_372] {strides = array<i32>} : memref<640x128xf32, #tpu.memory_space<vmem>>, vector<1x16xf32>,
      %get3A_374 = vector.shape_cast %get3A_373 : vector<1x16xf32> to vector<16xf32>
      %add3A_375 = arith.addf %add3A_361, %get3A_374 : vector<16xf32>
      %add3A_376 = arith.constant 19 : i32
      %add3A_377 = arith.addi %mul3A_109, %add3A_376 : i32
      %get3A_378 = arith.index_cast %add3A_377 : i32 to index
      %get3A_379 = arith.constant 16 : index
      %get3A_380 = tpu.vector_load %arg6[%get3A_378, %get3A_379] {strides = array<i32>} : memref<640x128xf32, #tpu.memory_space<vmem>>, vector<1x16xf32>,
      %get3A_381 = vector.shape_cast %get3A_380 : vector<1x16xf32> to vector<16xf32>
      %add3A_382 = arith.addf %add3A_368, %get3A_381 : vector<16xf32>
      %mul3A_383 = vector.broadcast %scan3A_99 : f32 to vector<16xf32>
      %mul3A_384 = arith.mulf %add3A_375, %mul3A_383 : vector<16xf32>
      %swap3A = arith.index_cast %scan3A_107 : i32 to index
      %swap3A_385 = arith.constant 0 : index
      %swap3A_386 = tpu.vector_load %arg7[%swap3A, %swap3A_385] {strides = array<i32>} : memref<32x32xf32, #tpu.memory_space<vmem>>, vector<1x16xf32>,
      %swap3A_387 = vector.shape_cast %swap3A_386 : vector<1x16xf32> to vector<16xf32>
      %swap3A_388 = vector.shape_cast %mul3A_384 : vector<16xf32> to vector<1x16xf32>
      tpu.vector_store %arg7[%swap3A, %swap3A_385], %swap3A_388 {strides = array<i32>} : memref<32x32xf32, #tpu.memory_space<vmem>>, vector<1x16xf32>,
      %mul3A_389 = vector.broadcast %scan3A_99 : f32 to vector<16xf32>
      %mul3A_390 = arith.mulf %add3A_382, %mul3A_389 : vector<16xf32>
      %swap3A_391 = arith.index_cast %scan3A_107 : i32 to index
      %swap3A_392 = arith.constant 16 : index
      %swap3A_393 = tpu.vector_load %arg7[%swap3A_391, %swap3A_392] {strides = array<i32>} : memref<32x32xf32, #tpu.memory_space<vmem>>, vector<1x16xf32>,
      %swap3A_394 = vector.shape_cast %swap3A_393 : vector<1x16xf32> to vector<16xf32>
      %swap3A_395 = vector.shape_cast %mul3A_390 : vector<16xf32> to vector<1x16xf32>
      tpu.vector_store %arg7[%swap3A_391, %swap3A_392], %swap3A_395 {strides = array<i32>} : memref<32x32xf32, #tpu.memory_space<vmem>>, vector<1x16xf32>,
    }
    %scan3A_104 = arith.constant 32 : i32
    %mul3A_105 = arith.constant 32 : i32
    %mul3A_106 = arith.muli %add3A, %mul3A_105 : i32
    "tpu.region"() ({
      %run_scoped3A = tpu.sem_alloc : memref<!tpu.dma_semaphore, #tpu.memory_space<semaphore_mem>>
      %dma_start3A_107 = arith.constant 0 : i32
      %dma_start3A_108 = tpu.memref_slice %arg4[%mul3A_106, %dma_start3A_107] : memref<1024x32xf32, #tpu.memory_space<hbm>> -> memref<32x32xf32, #tpu.memory_space<hbm>>
      %dma_start3A_109 = arith.constant 0 : i32
      %dma_start3A_110 = tpu.memref_slice %arg4[%mul3A_106, %dma_start3A_109] : memref<1024x32xf32, #tpu.memory_space<hbm>> -> memref<32x32xf32, #tpu.memory_space<hbm>>
      tpu.enqueue_dma source(%arg7 : memref<32x32xf32, #tpu.memory_space<vmem>>) target(%dma_start3A_110 : memref<32x32xf32, #tpu.memory_space<hbm>>) target_semaphore(%run_scoped3A : memref<!tpu.dma_semaphore, #tpu.memory_space<semaphore_mem>>)
      %dma_wait3A_111 = arith.constant 0 : i32
      %dma_wait3A_112 = tpu.memref_slice %arg4[%mul3A_106, %dma_wait3A_111] : memref<1024x32xf32, #tpu.memory_space<hbm>> -> memref<32x32xf32, #tpu.memory_space<hbm>>
      %dma_wait3A_113 = arith.constant 0 : i32
      %dma_wait3A_114 = tpu.memref_slice %arg4[%mul3A_106, %dma_wait3A_113] : memref<1024x32xf32, #tpu.memory_space<hbm>> -> memref<32x32xf32, #tpu.memory_space<hbm>>
      tpu.wait_dma2 semaphore(%run_scoped3A : memref<!tpu.dma_semaphore, #tpu.memory_space<semaphore_mem>>) src(%arg7 : memref<32x32xf32, #tpu.memory_space<vmem>>) dst(%dma_wait3A_114 : memref<32x32xf32, #tpu.memory_space<hbm>>)
      tpu.yield
    }) : () -> ()
    return
  }
}

module attributes {stable_mosaic.version = 14 : i64} {
  func.func @_pad_body(%arg0: i32, %arg1: memref<32x100000xf32, #tpu.memory_space<vmem>>, %arg2: memref<100000x128xf32, #tpu.memory_space<hbm>>, %arg3: memref<4x2048x128xf32, #tpu.memory_space<vmem>>, %arg4: memref<4x!tpu.dma_semaphore, #tpu.memory_space<semaphore_mem>>) attributes {dimension_semantics = [#tpu.dimension_semantics<arbitrary>], iteration_bounds = array<i64: 49>, scalar_prefetch = 0 : i64, scratch_operands = 2 : i64, tpu.core_type = #tpu.core_type<tc>, window_params = [{pipeline_mode = #tpu.pipeline_mode<synchronous>, transform_indices = @transform_0, window_bounds = array<i64: 32, 100000>}, {}]} {
    %rem3A = arith.constant 4 : i32
    %rem3A_0 = arith.remsi %arg0, %rem3A : i32
    %ge3A = arith.constant 4 : i32
    %ge3A_1 = arith.cmpi sge, %arg0, %ge3A : i32
    %convert_element_type3A = arith.extui %ge3A_1 : i1 to i32
    %cond3A = arith.constant 0 : i32
    %cond3A_2 = arith.cmpi ne, %convert_element_type3A, %cond3A : i32
    scf.if %cond3A_2 {
      %sub3A = arith.constant 4 : i32
      %sub3A_19 = arith.subi %arg0, %sub3A : i32
      %mul3A_20 = arith.constant 2048 : i32
      %mul3A_21 = arith.muli %sub3A_19, %mul3A_20 : i32
      %dma_wait3A = tpu.memref_slice %arg4[%rem3A_0] : memref<4x!tpu.dma_semaphore, #tpu.memory_space<semaphore_mem>> -> memref<1x!tpu.dma_semaphore, #tpu.memory_space<semaphore_mem>>
      %dma_wait3A_22 = tpu.memref_squeeze %dma_wait3A : memref<1x!tpu.dma_semaphore, #tpu.memory_space<semaphore_mem>> -> memref<!tpu.dma_semaphore, #tpu.memory_space<semaphore_mem>>
      %dma_wait3A_23 = arith.constant 0 : i32
      %dma_wait3A_24 = tpu.memref_slice %arg2[%mul3A_21, %dma_wait3A_23] : memref<100000x128xf32, #tpu.memory_space<hbm>> -> memref<2048x128xf32, #tpu.memory_space<hbm>>
      %dma_wait3A_25 = arith.constant 0 : i32
      %dma_wait3A_26 = arith.constant 0 : i32
      %dma_wait3A_27 = tpu.memref_slice %arg3[%rem3A_0, %dma_wait3A_25, %dma_wait3A_26] : memref<4x2048x128xf32, #tpu.memory_space<vmem>> -> memref<1x2048x128xf32, #tpu.memory_space<vmem>>
      %dma_wait3A_28 = tpu.memref_squeeze %dma_wait3A_27 : memref<1x2048x128xf32, #tpu.memory_space<vmem>> -> memref<2048x128xf32, #tpu.memory_space<vmem>>
      tpu.wait_dma2 semaphore(%dma_wait3A_22 : memref<!tpu.dma_semaphore, #tpu.memory_space<semaphore_mem>>) src(%dma_wait3A_28 : memref<2048x128xf32, #tpu.memory_space<vmem>>) dst(%dma_wait3A_24 : memref<2048x128xf32, #tpu.memory_space<hbm>>)
    } else {
    }
    %mul3A = arith.constant 2048 : i32
    %mul3A_3 = arith.muli %arg0, %mul3A : i32
    %get3A = arith.constant 0 : index
    %get3A_4 = arith.index_cast %mul3A_3 : i32 to index
    %get3A_5 = vector.load %arg1[%get3A, %get3A_4] : memref<32x100000xf32, #tpu.memory_space<vmem>>, vector<32x2048xf32>
    %transpose3A = tpu.transpose %get3A_5, [1, 0] : vector<32x2048xf32> -> vector<2048x32xf32>
    %swap3A = arith.index_cast %rem3A_0 : i32 to index
    %swap3A_6 = arith.constant 0 : index
    %swap3A_7 = arith.constant 0 : index
    %swap3A_8 = vector.load %arg3[%swap3A, %swap3A_6, %swap3A_7] : memref<4x2048x128xf32, #tpu.memory_space<vmem>>, vector<1x2048x32xf32>
    %swap3A_9 = vector.shape_cast %swap3A_8 : vector<1x2048x32xf32> to vector<2048x32xf32>
    %swap3A_10 = vector.shape_cast %transpose3A : vector<2048x32xf32> to vector<1x2048x32xf32>
    tpu.vector_store %arg3[%swap3A, %swap3A_6, %swap3A_7], %swap3A_10 {strides = array<i32>} : memref<4x2048x128xf32, #tpu.memory_space<vmem>>, vector<1x2048x32xf32>,
    %lt3A = arith.constant 48 : i32
    %lt3A_11 = arith.cmpi slt, %arg0, %lt3A : i32
    %convert_element_type3A_12 = arith.extui %lt3A_11 : i1 to i32
    %cond3A_13 = arith.constant 0 : i32
    %cond3A_14 = arith.cmpi ne, %convert_element_type3A_12, %cond3A_13 : i32
    scf.if %cond3A_14 {
      %mul3A_19 = arith.constant 2048 : i32
      %mul3A_20 = arith.muli %arg0, %mul3A_19 : i32
      %dma_start3A = tpu.memref_slice %arg4[%rem3A_0] : memref<4x!tpu.dma_semaphore, #tpu.memory_space<semaphore_mem>> -> memref<1x!tpu.dma_semaphore, #tpu.memory_space<semaphore_mem>>
      %dma_start3A_21 = tpu.memref_squeeze %dma_start3A : memref<1x!tpu.dma_semaphore, #tpu.memory_space<semaphore_mem>> -> memref<!tpu.dma_semaphore, #tpu.memory_space<semaphore_mem>>
      %dma_start3A_22 = arith.constant 0 : i32
      %dma_start3A_23 = tpu.memref_slice %arg2[%mul3A_20, %dma_start3A_22] : memref<100000x128xf32, #tpu.memory_space<hbm>> -> memref<2048x128xf32, #tpu.memory_space<hbm>>
      %dma_start3A_24 = arith.constant 0 : i32
      %dma_start3A_25 = arith.constant 0 : i32
      %dma_start3A_26 = tpu.memref_slice %arg3[%rem3A_0, %dma_start3A_24, %dma_start3A_25] : memref<4x2048x128xf32, #tpu.memory_space<vmem>> -> memref<1x2048x128xf32, #tpu.memory_space<vmem>>
      %dma_start3A_27 = tpu.memref_squeeze %dma_start3A_26 : memref<1x2048x128xf32, #tpu.memory_space<vmem>> -> memref<2048x128xf32, #tpu.memory_space<vmem>>
      tpu.enqueue_dma source(%dma_start3A_27 : memref<2048x128xf32, #tpu.memory_space<vmem>>) target(%dma_start3A_23 : memref<2048x128xf32, #tpu.memory_space<hbm>>) target_semaphore(%dma_start3A_21 : memref<!tpu.dma_semaphore, #tpu.memory_space<semaphore_mem>>)
    } else {
    }
    %eq3A = arith.constant 48 : i32
    %eq3A_15 = arith.cmpi eq, %arg0, %eq3A : i32
    %convert_element_type3A_16 = arith.extui %eq3A_15 : i1 to i32
    %cond3A_17 = arith.constant 0 : i32
    %cond3A_18 = arith.cmpi ne, %convert_element_type3A_16, %cond3A_17 : i32
    scf.if %cond3A_18 {
      %mul3A_19 = arith.constant 2048 : i32
      %mul3A_20 = arith.muli %arg0, %mul3A_19 : i32
      %dma_start3A = tpu.memref_slice %arg4[%rem3A_0] : memref<4x!tpu.dma_semaphore, #tpu.memory_space<semaphore_mem>> -> memref<1x!tpu.dma_semaphore, #tpu.memory_space<semaphore_mem>>
      %dma_start3A_21 = tpu.memref_squeeze %dma_start3A : memref<1x!tpu.dma_semaphore, #tpu.memory_space<semaphore_mem>> -> memref<!tpu.dma_semaphore, #tpu.memory_space<semaphore_mem>>
      %dma_start3A_22 = arith.constant 0 : i32
      %dma_start3A_23 = tpu.memref_slice %arg2[%mul3A_20, %dma_start3A_22] : memref<100000x128xf32, #tpu.memory_space<hbm>> -> memref<1696x128xf32, #tpu.memory_space<hbm>>
      %dma_start3A_24 = arith.constant 0 : i32
      %dma_start3A_25 = arith.constant 0 : i32
      %dma_start3A_26 = tpu.memref_slice %arg3[%rem3A_0, %dma_start3A_24, %dma_start3A_25] : memref<4x2048x128xf32, #tpu.memory_space<vmem>> -> memref<1x1696x128xf32, #tpu.memory_space<vmem>>
      %dma_start3A_27 = tpu.memref_squeeze %dma_start3A_26 : memref<1x1696x128xf32, #tpu.memory_space<vmem>> -> memref<1696x128xf32, #tpu.memory_space<vmem>>
      tpu.enqueue_dma source(%dma_start3A_27 : memref<1696x128xf32, #tpu.memory_space<vmem>>) target(%dma_start3A_23 : memref<1696x128xf32, #tpu.memory_space<hbm>>) target_semaphore(%dma_start3A_21 : memref<!tpu.dma_semaphore, #tpu.memory_space<semaphore_mem>>)
      %sub3A = arith.constant 3 : i32
      %sub3A_28 = arith.subi %arg0, %sub3A : i32
      %sub3A_29 = arith.constant 3 : i32
      %sub3A_30 = arith.subi %arg0, %sub3A_29 : i32
      %rem3A_31 = arith.constant 4 : i32
      %rem3A_32 = arith.remsi %sub3A_30, %rem3A_31 : i32
      %mul3A_33 = arith.constant 2048 : i32
      %mul3A_34 = arith.muli %sub3A_28, %mul3A_33 : i32
      %dma_wait3A = tpu.memref_slice %arg4[%rem3A_32] : memref<4x!tpu.dma_semaphore, #tpu.memory_space<semaphore_mem>> -> memref<1x!tpu.dma_semaphore, #tpu.memory_space<semaphore_mem>>
      %dma_wait3A_35 = tpu.memref_squeeze %dma_wait3A : memref<1x!tpu.dma_semaphore, #tpu.memory_space<semaphore_mem>> -> memref<!tpu.dma_semaphore, #tpu.memory_space<semaphore_mem>>
      %dma_wait3A_36 = arith.constant 0 : i32
      %dma_wait3A_37 = tpu.memref_slice %arg2[%mul3A_34, %dma_wait3A_36] : memref<100000x128xf32, #tpu.memory_space<hbm>> -> memref<2048x128xf32, #tpu.memory_space<hbm>>
      %dma_wait3A_38 = arith.constant 0 : i32
      %dma_wait3A_39 = arith.constant 0 : i32
      %dma_wait3A_40 = tpu.memref_slice %arg3[%rem3A_32, %dma_wait3A_38, %dma_wait3A_39] : memref<4x2048x128xf32, #tpu.memory_space<vmem>> -> memref<1x2048x128xf32, #tpu.memory_space<vmem>>
      %dma_wait3A_41 = tpu.memref_squeeze %dma_wait3A_40 : memref<1x2048x128xf32, #tpu.memory_space<vmem>> -> memref<2048x128xf32, #tpu.memory_space<vmem>>
      tpu.wait_dma2 semaphore(%dma_wait3A_35 : memref<!tpu.dma_semaphore, #tpu.memory_space<semaphore_mem>>) src(%dma_wait3A_41 : memref<2048x128xf32, #tpu.memory_space<vmem>>) dst(%dma_wait3A_37 : memref<2048x128xf32, #tpu.memory_space<hbm>>)
      %sub3A_42 = arith.constant 2 : i32
      %sub3A_43 = arith.subi %arg0, %sub3A_42 : i32
      %sub3A_44 = arith.constant 2 : i32
      %sub3A_45 = arith.subi %arg0, %sub3A_44 : i32
      %rem3A_46 = arith.constant 4 : i32
      %rem3A_47 = arith.remsi %sub3A_45, %rem3A_46 : i32
      %mul3A_48 = arith.constant 2048 : i32
      %mul3A_49 = arith.muli %sub3A_43, %mul3A_48 : i32
      %dma_wait3A_50 = tpu.memref_slice %arg4[%rem3A_47] : memref<4x!tpu.dma_semaphore, #tpu.memory_space<semaphore_mem>> -> memref<1x!tpu.dma_semaphore, #tpu.memory_space<semaphore_mem>>
      %dma_wait3A_51 = tpu.memref_squeeze %dma_wait3A_50 : memref<1x!tpu.dma_semaphore, #tpu.memory_space<semaphore_mem>> -> memref<!tpu.dma_semaphore, #tpu.memory_space<semaphore_mem>>
      %dma_wait3A_52 = arith.constant 0 : i32
      %dma_wait3A_53 = tpu.memref_slice %arg2[%mul3A_49, %dma_wait3A_52] : memref<100000x128xf32, #tpu.memory_space<hbm>> -> memref<2048x128xf32, #tpu.memory_space<hbm>>
      %dma_wait3A_54 = arith.constant 0 : i32
      %dma_wait3A_55 = arith.constant 0 : i32
      %dma_wait3A_56 = tpu.memref_slice %arg3[%rem3A_47, %dma_wait3A_54, %dma_wait3A_55] : memref<4x2048x128xf32, #tpu.memory_space<vmem>> -> memref<1x2048x128xf32, #tpu.memory_space<vmem>>
      %dma_wait3A_57 = tpu.memref_squeeze %dma_wait3A_56 : memref<1x2048x128xf32, #tpu.memory_space<vmem>> -> memref<2048x128xf32, #tpu.memory_space<vmem>>
      tpu.wait_dma2 semaphore(%dma_wait3A_51 : memref<!tpu.dma_semaphore, #tpu.memory_space<semaphore_mem>>) src(%dma_wait3A_57 : memref<2048x128xf32, #tpu.memory_space<vmem>>) dst(%dma_wait3A_53 : memref<2048x128xf32, #tpu.memory_space<hbm>>)
      %sub3A_58 = arith.constant 1 : i32
      %sub3A_59 = arith.subi %arg0, %sub3A_58 : i32
      %sub3A_60 = arith.constant 1 : i32
      %sub3A_61 = arith.subi %arg0, %sub3A_60 : i32
      %rem3A_62 = arith.constant 4 : i32
      %rem3A_63 = arith.remsi %sub3A_61, %rem3A_62 : i32
      %mul3A_64 = arith.constant 2048 : i32
      %mul3A_65 = arith.muli %sub3A_59, %mul3A_64 : i32
      %dma_wait3A_66 = tpu.memref_slice %arg4[%rem3A_63] : memref<4x!tpu.dma_semaphore, #tpu.memory_space<semaphore_mem>> -> memref<1x!tpu.dma_semaphore, #tpu.memory_space<semaphore_mem>>
      %dma_wait3A_67 = tpu.memref_squeeze %dma_wait3A_66 : memref<1x!tpu.dma_semaphore, #tpu.memory_space<semaphore_mem>> -> memref<!tpu.dma_semaphore, #tpu.memory_space<semaphore_mem>>
      %dma_wait3A_68 = arith.constant 0 : i32
      %dma_wait3A_69 = tpu.memref_slice %arg2[%mul3A_65, %dma_wait3A_68] : memref<100000x128xf32, #tpu.memory_space<hbm>> -> memref<2048x128xf32, #tpu.memory_space<hbm>>
      %dma_wait3A_70 = arith.constant 0 : i32
      %dma_wait3A_71 = arith.constant 0 : i32
      %dma_wait3A_72 = tpu.memref_slice %arg3[%rem3A_63, %dma_wait3A_70, %dma_wait3A_71] : memref<4x2048x128xf32, #tpu.memory_space<vmem>> -> memref<1x2048x128xf32, #tpu.memory_space<vmem>>
      %dma_wait3A_73 = tpu.memref_squeeze %dma_wait3A_72 : memref<1x2048x128xf32, #tpu.memory_space<vmem>> -> memref<2048x128xf32, #tpu.memory_space<vmem>>
      tpu.wait_dma2 semaphore(%dma_wait3A_67 : memref<!tpu.dma_semaphore, #tpu.memory_space<semaphore_mem>>) src(%dma_wait3A_73 : memref<2048x128xf32, #tpu.memory_space<vmem>>) dst(%dma_wait3A_69 : memref<2048x128xf32, #tpu.memory_space<hbm>>)
      %mul3A_74 = arith.constant 2048 : i32
      %mul3A_75 = arith.muli %arg0, %mul3A_74 : i32
      %dma_wait3A_76 = tpu.memref_slice %arg4[%rem3A_0] : memref<4x!tpu.dma_semaphore, #tpu.memory_space<semaphore_mem>> -> memref<1x!tpu.dma_semaphore, #tpu.memory_space<semaphore_mem>>
      %dma_wait3A_77 = tpu.memref_squeeze %dma_wait3A_76 : memref<1x!tpu.dma_semaphore, #tpu.memory_space<semaphore_mem>> -> memref<!tpu.dma_semaphore, #tpu.memory_space<semaphore_mem>>
      %dma_wait3A_78 = arith.constant 0 : i32
      %dma_wait3A_79 = tpu.memref_slice %arg2[%mul3A_75, %dma_wait3A_78] : memref<100000x128xf32, #tpu.memory_space<hbm>> -> memref<1696x128xf32, #tpu.memory_space<hbm>>
      %dma_wait3A_80 = arith.constant 0 : i32
      %dma_wait3A_81 = arith.constant 0 : i32
      %dma_wait3A_82 = tpu.memref_slice %arg3[%rem3A_0, %dma_wait3A_80, %dma_wait3A_81] : memref<4x2048x128xf32, #tpu.memory_space<vmem>> -> memref<1x1696x128xf32, #tpu.memory_space<vmem>>
      %dma_wait3A_83 = tpu.memref_squeeze %dma_wait3A_82 : memref<1x1696x128xf32, #tpu.memory_space<vmem>> -> memref<1696x128xf32, #tpu.memory_space<vmem>>
      tpu.wait_dma2 semaphore(%dma_wait3A_77 : memref<!tpu.dma_semaphore, #tpu.memory_space<semaphore_mem>>) src(%dma_wait3A_83 : memref<1696x128xf32, #tpu.memory_space<vmem>>) dst(%dma_wait3A_79 : memref<1696x128xf32, #tpu.memory_space<hbm>>)
    } else {
    }
    return
  }
  func.func @transform_0(%arg0: i32) -> (i32, i32) {
    %c0_i32 = arith.constant 0 : i32
    %c0_i32_0 = arith.constant 0 : i32
    %c0_i32_1 = arith.constant 0 : i32
    return %c0_i32, %c0_i32_0 : i32, i32
  }
}

module attributes {stable_mosaic.version = 14 : i64} {
  func.func @_mm_body(%arg0: i32, %arg1: memref<1024x33xf32, #tpu.memory_space<vmem>>, %arg2: memref<33x2048xf32, #tpu.memory_space<vmem>>, %arg3: memref<2048x1024xf32, #tpu.memory_space<vmem>>) attributes {dimension_semantics = [#tpu.dimension_semantics<arbitrary>], iteration_bounds = array<i64: 49>, scalar_prefetch = 0 : i64, scratch_operands = 0 : i64, tpu.core_type = #tpu.core_type<tc>, window_params = [{pipeline_mode = #tpu.pipeline_mode<synchronous>, transform_indices = @transform_0, window_bounds = array<i64: 1024, 33>}, {transform_indices = @transform_1, window_bounds = array<i64: 33, 2048>}, {transform_indices = @transform_2, window_bounds = array<i64: 2048, 1024>}]} {
    %get3A = arith.constant 0 : index
    %get3A_0 = arith.constant 0 : index
    %get3A_1 = vector.load %arg2[%get3A, %get3A_0] : memref<33x2048xf32, #tpu.memory_space<vmem>>, vector<33x2048xf32>
    %get3A_2 = arith.constant 0 : index
    %get3A_3 = arith.constant 0 : index
    %get3A_4 = vector.load %arg1[%get3A_2, %get3A_3] : memref<1024x33xf32, #tpu.memory_space<vmem>>, vector<1024x33xf32>
    %dot_general3A = arith.constant dense<0.000000e+00> : vector<2048x1024xf32>
    %dot_general3A_5 = tpu.matmul %get3A_1, %get3A_4, %dot_general3A {dimension_numbers = #tpu.dot_dimension_numbers<[0], [1], [1], [0], [0, 1, 1, 0], [], []>, transpose_lhs_hint = false} : vector<33x2048xf32>, vector<1024x33xf32>, vector<2048x1024xf32> -> vector<2048x1024xf32>
    %swap3A = arith.constant 0 : index
    %swap3A_6 = arith.constant 0 : index
    %swap3A_7 = vector.load %arg3[%swap3A, %swap3A_6] : memref<2048x1024xf32, #tpu.memory_space<vmem>>, vector<2048x1024xf32>
    tpu.vector_store %arg3[%swap3A, %swap3A_6], %dot_general3A_5 {strides = array<i32>} : memref<2048x1024xf32, #tpu.memory_space<vmem>>, vector<2048x1024xf32>,
    return
  }
  func.func @transform_0(%arg0: i32) -> (i32, i32) {
    %c0_i32 = arith.constant 0 : i32
    %c0_i32_0 = arith.constant 0 : i32
    %c0_i32_1 = arith.constant 0 : i32
    return %c0_i32, %c0_i32_0 : i32, i32
  }
  func.func @transform_1(%arg0: i32) -> (i32, i32) {
    %c0_i32 = arith.constant 0 : i32
    %c0_i32_0 = arith.constant 0 : i32
    return %c0_i32, %arg0 : i32, i32
  }
  func.func @transform_2(%arg0: i32) -> (i32, i32) {
    %c0_i32 = arith.constant 0 : i32
    %c0_i32_0 = arith.constant 0 : i32
    return %arg0, %c0_i32 : i32, i32
  }
}

</mosaic_0001>

<sc_bundles>
// kernel: kernel.5.cloned.1.call-start
scs
__scs_entry_jumppad:
0x0: {  	(pc) =	sbr.rel $0x88, $3  }
0x1: {  	(tag) =	ssettag $0x0;
	lr =	simm.s32 $0x1  }
0x2: {  	[smem:$0x3F9D] =	sst lr;
	_ =	strace $0xD0000000  }
0x3: {  	_ = 	snop  }
0x4: {  	_ = 	snop  }
0x5: {  	_ = 	snop  }
0x6: {  	_ = 	snop  }
0x7: {  	_ = 	snop  }
__scs_overlays_trampoline_lowered:
0x8: {  	[smem:$0x3FAC] =	sst s0  }
0x9: {  	[smem:$0x3FAD] =	sst s1  }
0xa: {  	[smem:$0x3FAE] =	sst s2  }
0xb: {  	[smem:$0x3FAF] =	sst s3  }
0xc: {  	[smem:$0x3FB0] =	sst s4  }
0xd: {  	[smem:$0x3FB1] =	sst s5  }
0xe: {  	[smem:$0x3FB2] =	sst s6  }
0xf: {  	[smem:$0x3FB3] =	sst s7  }
0x10: {  	[smem:$0x3FB4] =	sst s8  }
0x11: {  	[smem:$0x3FB5] =	sst s9;
	s0 =	simm.s32 @!p0 $0x0  }
0x12: {  	s1 =	sld [smem:$0x3F9B];
	s0 =	simm.s32 @p0 $0x1  }
0x13: {  	[smem:$0x3FB6] =	sst s0;
	s0 =	simm.s32 @!p1 $0x0  }
0x14: {  	s2 =	sld [smem:$0x3F9A];
	s0 =	simm.s32 @p1 $0x1  }
0x15: {  	[smem:$0x3FB7] =	sst s0;
	s0 =	simm.s32 @!p2 $0x0  }
0x16: {  	s3 =	sld [smem:$0x3FDB];
	s0 =	simm.s32 @p2 $0x1  }
0x17: {  	s4 =	simm.s32 $0x1BF5;
	[smem:$0x3FB9] =	sst s0  }
0x18: {  	s0 =	sld [smem:$0x3F9C];
	_ =	swait.ge [sflag:s4], $0x0  }
0x19: {  	s7 =	sld [smem:$0x3F9D]  }
0x1a: {  	s8 =	sadd.s32 $0xFFFFE003, lr  }
0x1b: {  	s9 =	sadd.s32 $0xFFFFFEF7, lr;
	s5 =	simm.s32 $0xFFFFFFFF;
	p2 =	slt.u32 s8, $0xFFFFF086  }
0x1c: {  	p1 =	slt.u32 s9, $0xF7A;
	s5 =	simm.s32 @!p2 $0x0  }
0x1d: {  	s5 =	simm.s32 @p1 $0x1;
	p0 =	seq.s32 s7, s2  }
0x1e: {  	s7 =	smul.u32 @!p0 $0xF7A, s2;
	p2 =	seq.s32 @!p0 s5, $0x0  }
0x1f: {  	s9 =	smul.u32 $0xF7A, s1;
	s8 =	simm.s32 @!p0 $0x1BF5;
	p2 =	por !p2, p0  }
0x20: {  	[sflag:s8] =	ssyncset.s32 @!p0 $0xFFFFF086;
	s6 =	sadd.s32 @!p0 s3, s7;
	s7 =	simm.s32 @!p0 $0x108  }
0x21: {  	s3 =	sadd.s32 s3, s9;
	s6 =	sadd.s32 @!p0 $0x88, s6;
	s7 =	simm.s32 @p2 $0x1082  }
0x22: {  	[simem:s7], [sflag:s8] =	dma.local @!p0 [hbm:s6], $0xF7A  }
0x23: {  	s9 =	sor.u32 $0xD0000000, s2;
	s6 =	simm.s32 $0x108;
	_ =	swait.ge @!p0 [sflag:s8], $0x0  }
0x24: {  	s3 =	sadd.s32 $0x88, s3;
	s6 =	simm.s32 @!p1 $0x1082;
	[sflag:s4] =	ssyncset.s32 $0xFFFFF086  }
0x25: {  	[simem:s6], [sflag:s4] =	dma.local [hbm:s3], $0xF7A  }
0x26: {  	[smem:$0x3F9D] =	sst s1;
	(tag) =	ssettag s2;
	_ =	strace s9  }
0x27: {  	s1 =	sld [smem:$0x3FAD]  }
0x28: {  	s2 =	sld [smem:$0x3FAE]  }
0x29: {  	s4 =	sld [smem:$0x3FB0]  }
0x2a: {  	p0 =	seq.s32 s5, $0x0;
	s5 =	sld [smem:$0x3FB1]  }
0x2b: {  	s6 =	sld [smem:$0x3FB2]  }
0x2c: {  	s7 =	sld [smem:$0x3FB3]  }
0x2d: {  	s3 =	simm.s32 $0x108;
	s8 =	sld [smem:$0x3FB4]  }
0x2e: {  	s3 =	simm.s32 @!p0 $0x1082;
	s9 =	sld [smem:$0x3FB5]  }
0x2f: {  	lr =	sadd.s32 s0, s3;
	s0 =	sld [smem:$0x3FAC]  }
0x30: {  	s3 =	sld [smem:$0x3FAF]  }
0x31: {  	[smem:$0x3FB8] =	sst s10  }
0x32: {  	s10 =	sld [smem:$0x3FB6];
	_ =	sdelay $0x3  }
0x33: {  	p0 =	seq.s32 s10, $0x1;
	s10 =	sld [smem:$0x3FB8];
	_ =	sdelay $0x3  }
0x34: {  	[smem:$0x3FB8] =	sst s10  }
0x35: {  	s10 =	sld [smem:$0x3FB7];
	_ =	sdelay $0x3  }
0x36: {  	p1 =	seq.s32 s10, $0x1;
	s10 =	sld [smem:$0x3FB8];
	_ =	sdelay $0x3  }
0x37: {  	[smem:$0x3FB8] =	sst s10  }
0x38: {  	s10 =	sld [smem:$0x3FB9]  }
0x39: {  	_ = 	snop;
	(pc) =	sbr.ind lr, $3  }
0x3a: {  	_ = 	snop  }
0x3b: {  	_ = 	snop  }
0x3c: {  	p2 =	seq.s32 s10, $0x1;
	s10 =	sld [smem:$0x3FB8]  }
0x3d: {  	_ =	shalt  }
0x3e: {  	_ =	shalt  }
0x3f: {  	_ =	shalt  }
0x40: {  	_ =	shalt  }
0x41: {  	_ =	shalt  }
0x42: {  	_ =	shalt  }
0x43: {  	_ =	shalt  }
0x44: {  	_ =	shalt  }
0x45: {  	_ =	shalt  }
0x46: {  	_ =	shalt  }
0x47: {  	_ =	shalt  }
0x48: {  	_ =	shalt  }
0x49: {  	_ =	shalt  }
0x4a: {  	_ =	shalt  }
0x4b: {  	_ =	shalt  }
0x4c: {  	_ =	shalt  }
0x4d: {  	_ =	shalt  }
0x4e: {  	_ =	shalt  }
0x4f: {  	_ =	shalt  }
0x50: {  	_ =	shalt  }
0x51: {  	_ =	shalt  }
0x52: {  	_ =	shalt  }
0x53: {  	_ =	shalt  }
0x54: {  	_ =	shalt  }
0x55: {  	_ =	shalt  }
0x56: {  	_ =	shalt  }
0x57: {  	_ =	shalt  }
0x58: {  	_ =	shalt  }
0x59: {  	_ =	shalt  }
0x5a: {  	_ =	shalt  }
0x5b: {  	_ =	shalt  }
0x5c: {  	_ =	shalt  }
0x5d: {  	_ =	shalt  }
0x5e: {  	_ =	shalt  }
0x5f: {  	_ =	shalt  }
0x60: {  	_ =	shalt  }
0x61: {  	_ =	shalt  }
0x62: {  	_ =	shalt  }
0x63: {  	_ =	shalt  }
0x64: {  	_ =	shalt  }
0x65: {  	_ =	shalt  }
0x66: {  	_ =	shalt  }
0x67: {  	_ =	shalt  }
0x68: {  	_ =	shalt  }
0x69: {  	_ =	shalt  }
0x6a: {  	_ =	shalt  }
0x6b: {  	_ =	shalt  }
0x6c: {  	_ =	shalt  }
0x6d: {  	_ =	shalt  }
0x6e: {  	_ =	shalt  }
0x6f: {  	_ =	shalt  }
0x70: {  	_ =	shalt  }
0x71: {  	_ =	shalt  }
0x72: {  	_ =	shalt  }
0x73: {  	_ =	shalt  }
0x74: {  	_ =	shalt  }
0x75: {  	_ =	shalt  }
0x76: {  	_ =	shalt  }
0x77: {  	_ =	shalt  }
0x78: {  	_ =	shalt  }
0x79: {  	_ =	shalt  }
0x7a: {  	_ =	shalt  }
0x7b: {  	_ =	shalt  }
0x7c: {  	_ =	shalt  }
0x7d: {  	_ =	shalt  }
0x7e: {  	_ =	shalt  }
0x7f: {  	_ =	shalt  }
0x80: {  	_ =	shalt  }
0x81: {  	_ =	shalt  }
0x82: {  	_ =	shalt  }
0x83: {  	_ =	shalt  }
0x84: {  	_ =	shalt  }
0x85: {  	_ =	shalt  }
0x86: {  	_ =	shalt  }
0x87: {  	_ =	shalt  }
.Lfunc_end0:
.L_simem_size_0:
called_computation_lowered:
.L_overlay_start_0:
0x88: {  	s2 =	sld [smem:$0x3FD9]  }
0x89: {  	s3 =	sld [smem:$0x3FFE];
	_ =	sdelay $0x1  }
0x8a: {  	s1 =	srdreg.scid  }
0x8b: {  	s0 =	sand.u32 $0x1, s1  }
0x8c: {  	s17 =	sshll.u32 s0, $0xA;
	s2 =	sadd.s32 s3, s2  }
0x8d: {  	s2 =	sadd.s32 s2, s17  }
0x8e: {  	[smem:$0x3FC4] =	sst s2  }
0x8f: {  	_ = 	snop  }
0x90: {  	s2 =	sld [smem:$0x3FD0];
	(tm) =	ssettm $0x1  }
0x91: {  	s18 =	sld [smem:$0x3FFB];
	_ =	sdelay $0x3  }
0x92: {  	_ =	strace s18  }
0x93: {  	s3 =	sld [smem:$0x3FFC];
	_ =	sdelay $0x3  }
0x94: {  	_ =	strace s3  }
0x95: {  	s3 =	sld [smem:$0x3FFD];
	_ =	sdelay $0x3  }
0x96: {  	_ =	strace s3  }
0x97: {  	_ =	strace $0x8FFFFFFF  }
0x98: {  	s19 =	sld [smem:$0x3FDB];
	_ =	sdelay $0x1  }
0x99: {  	s4 =	simm.s32 $_scs_section_size  }
0x9a: {  	s5 =	simm.s32 $_size__tile_overlayer_lowered;
	s6 =	simm.s32 $_tile_overlayer_lowered  }
0x9b: {  	s22 =	simm.s32 $0x1BFF;
	s21 =	sshll.u32 s6, $0x1;
	s3 =	sadd.s32 s4, s19  }
0x9c: {  	s7 =	simm.s32 $0x0;
	s20 =	sshll.u32 s5, $0x1;
	s5 =	sadd.s32 s21, s3  }
0x9d: {  	[timem:s7], [sflag:s22] =	dma.local [hbm:s5], s20  }
0x9e: {  	_ =	swait.ge [sflag:s22], s20  }
0x9f: {  	s4 =	ssub.s32 $0x0, s20;
	[sflag:s22] =	ssyncset.done $0x0  }
0xa0: {  	[sflag:s22] =	ssyncadd.s32 s4;
	_ =	sdelay $0x1  }
0xa1: {  	s23 =	simm.s32 $0x1B8B  }
0xa2: {  	_ =	swait.ge [sflag:s23], $0x1  }
0xa3: {  	[sflag:s23] =	ssyncset.done $0x0  }
0xa4: {  	s25 =	simm.s32 $0x1B8E;
	s24 =	sld [smem:$0x3FFE];
	[sflag:s23] =	ssyncadd.s32 $0xFFFFFFFF  }
0xa5: {  	s26 =	simm.s32 $execute0_lowered;
	[smem:$0x3FD2] =	sst s25  }
0xa6: {  	s5 =	sshll.u32 s26, $0x1;
	_ =	strace $0x80000046;
	[dreg:$0x1] =	wrdreg $0xFFFFFFFF  }
0xa7: {  	s28 =	simm.s32 $_size_execute0_lowered;
	s3 =	sadd.s32 s3, s5;
	[dreg:$0x0] =	wrdreg $0x0  }
0xa8: {  	s5 =	sshll.u32 s28, $0x1;
	[dreg:$0x2] =	wrdreg s3  }
0xa9: {  	[dreg:$0x3] =	wrdreg s5  }
0xaa: {  	[dreg:$0x4] =	wrdreg $0xC0  }
0xab: {  	_ =	task [dreg:s7], $0x5FFFF  }
0xac: {  	[dreg:$0x1] =	wrdreg $0xFFFFFFFF  }
0xad: {  	[dreg:$0x0] =	wrdreg $0x60  }
0xae: {  	[dreg:$0x2] =	wrdreg s24  }
0xaf: {  	[dreg:$0x3] =	wrdreg s2  }
0xb0: {  	[dreg:$0x4] =	wrdreg $0x9  }
0xb1: {  	_ =	task.clear_ibuf [dreg:s7], $0x5FFFF;
	_ =	strace $0x90000046  }
0xb2: {  	s29 =	simm.s32 $0x9;
	_ =	strace $0x80000048  }
0xb3: {  	_ =	swait.ge [sflag:s29], $0x1  }
0xb4: {  	[sflag:s29] =	ssyncadd.s32 $0xFFFFFFFF  }
0xb5: {  	_ =	strace $0x90000048  }
0xb6: {  	_ =	sfence  }
0xb7: {  	s30 =	sld [smem:$0x0];
	_ =	sdelay $0x2  }
0xb8: {  	s31 =	sshll.u32 s1, $0xD;
	s1 =	sshrl.u32 s1, $0x2  }
0xb9: {  	s3 =	sand.u32 $0x4000, s31;
	s1 =	sadd.s32 s1, s30  }
0xba: {  	s0 =	sor.u32 s3, s0;
	s1 =	sshll.u32 s1, $0x11  }
0xbb: {  	s0 =	sor.u32 s1, s0  }
0xbc: {  	s0 =	sadd.s32 $0x8F2B, s0  }
0xbd: {  	[sflag:s0] =	ssyncadd.remote.s32 $0x1  }
0xbe: {  	_ =	sfence.sel $0xFFFF  }
0xbf: {  	[dreg:$0x0] =	wrdreg $0xFFFFFFFF;
	(pc) =	sbr.abs _section_cstart, $3  }
0xc0: {  	[dreg:$0x1] =	wrdreg $0xFFFFFFFF  }
0xc1: {  	_ =	task.clear_ibuf [dreg:s7], $0x2FFFF;
	_ =	strace $0x9FFFFFFF  }
0xc2: {  	(tm) =	ssettm $0x7FFFFFFF  }
0xc3: {  	_ =	shalt  }
tec
execute0_lowered:
.L_overlay_start_1:
0x0: {  	(tag) =	ssettag $0x1  }
0x1: {  	s4 =	rddreg [dreg:$0x0];
	s1 =	srdreg.scid  }
0x2: {  	s0 =	stileid.u32;
	s2 =	rddreg [dreg:$0x1]  }
0x3: {  	s3 =	simm.s32 $0x0;
	s9 =	simm.s32 $0x280;
	s10 =	simm.s32 $0x4280  }
0x4: {  	s11 =	simm.s32 $0x100;
	s12 =	simm.s32 $0x8280;
	s13 =	simm.s32 $0x180  }
0x5: {  	s14 =	simm.s32 $0xC280;
	s15 =	simm.s32 $0x200;
	s16 =	simm.s32 $0x10280  }
0x6: {  	s17 =	simm.s32 $0x1;
	s18 =	simm.s32 $0x14280;
	s19 =	simm.s32 $0x0  }
0x7: {  	s5 =	sand.u32 $0x1, s1;
	s6 =	sshll.u32 s0, $0x1;
	s1 =	rddreg [dreg:$0x2]  }
0x8: {  	[smem:$0x7FF] =	sst s3;
	s6 =	sor.u32 s5, s6;
	s5 =	ssub.s32 $0x2, s5  }
0x9: {  	s7 =	smul.u32 $0x50, s6;
	s6 =	sshll.u32 s6, $0x7;
	s8 =	sshrl.u32 s5, $0x1  }
0xa: {  	_ =	strace $0x80000047;
	s6 =	sadd.s32 s6, s4;
	s8 =	ssub.s32 s5, s8  }
0xb: {  	s7 =	sadd.s32 s7, s4;
	s5 =	sadd.s32 $0x2200, s6;
	s6 =	smax.u32 s8, $0x1  }
0xc: {  	s8 =	simm.s32 $0x80;
	s4 =	sadd.s32 $0x1800, s7;
	s7 =	simm.s32 $0x2  }
.LBB2_1:
0xd: {  	[tilespmem:s3], [sflag:$0x2] =	stream.linear.gather [hbm4b:s4+s3], $0x280, $0x38;
	[tilespmem:$0x14680] =	vst v63  }
0xe: {  	_ =	swait.ge [sflag:s7], $0x280  }
0xf: {  	[sflag:s7] =	ssyncset.done $0x0  }
0x10: {  	[sflag:s7] =	ssyncadd.s32 $0xFFFFFD80  }
0x11: {  	[tilespmem:s9], [sflag:$0x1] =	stream.indirect.gather [hbm4b:s2+s8], $0x80, s3, s8, $0xb8;
	[tilespmem:$0x14680] =	vst v63  }
0x12: {  	_ = 	snop  }
0x13: {  	[tilespmem:s10], [sflag:$0x1] =	stream.indirect.gather [hbm4b:s2+s8], $0x80, s8, s8, $0xb8;
	[tilespmem:$0x14680] =	vst v63  }
0x14: {  	_ = 	snop  }
0x15: {  	[tilespmem:s12], [sflag:$0x1] =	stream.indirect.gather [hbm4b:s2+s8], $0x80, s11, s8, $0xb8;
	[tilespmem:$0x14680] =	vst v63  }
0x16: {  	_ = 	snop  }
0x17: {  	[tilespmem:s14], [sflag:$0x1] =	stream.indirect.gather [hbm4b:s2+s8], $0x80, s13, s8, $0xb8;
	[tilespmem:$0x14680] =	vst v63  }
0x18: {  	_ = 	snop  }
0x19: {  	[tilespmem:s16], [sflag:$0x1] =	stream.indirect.gather [hbm4b:s2+s8], $0x80, s15, s8, $0xb8;
	[tilespmem:$0x14680] =	vst v63  }
0x1a: {  	_ =	swait.ge [sflag:s17], $0x4000  }
0x1b: {  	[sflag:s17] =	ssyncset.done $0x0  }
0x1c: {  	[sflag:s17] =	ssyncadd.s32 $0xFFFFC000  }
0x1d: {  	_ =	swait.ge [sflag:s17], $0x4000  }
0x1e: {  	[sflag:s17] =	ssyncset.done $0x0  }
0x1f: {  	[sflag:s17] =	ssyncadd.s32 $0xFFFFC000  }
0x20: {  	_ =	swait.ge [sflag:s17], $0x4000  }
0x21: {  	[sflag:s17] =	ssyncset.done $0x0  }
0x22: {  	[sflag:s17] =	ssyncadd.s32 $0xFFFFC000  }
0x23: {  	_ =	swait.ge [sflag:s17], $0x4000  }
0x24: {  	[sflag:s17] =	ssyncset.done $0x0  }
0x25: {  	[sflag:s17] =	ssyncadd.s32 $0xFFFFC000  }
0x26: {  	_ =	swait.ge [sflag:s17], $0x4000  }
0x27: {  	[sflag:s17] =	ssyncset.done $0x0  }
0x28: {  	s20 =	simm.s32 $0x780;
	[sflag:s17] =	ssyncadd.s32 $0xFFFFC000  }
0x29: {  	v0 =	vld [tilespmem:s20+$0xFFFFFB90]  }
0x2a: {  	v1 =	vld [tilespmem:s20+$0xFFFFFB00]  }
0x2b: {  	v2 =	vld [tilespmem:s20+$0xFFFFFB80]  }
0x2c: {  	v3 =	vld [tilespmem:s20+$0xFFFFFB10]  }
0x2d: {  	v4 =	vld [tilespmem:s20+$0xFFFFFC00]  }
0x2e: {  	v5 =	vld [tilespmem:s20+$0xFFFFFC10]  }
0x2f: {  	v6 =	vld [tilespmem:s20+$0xFFFFFC80]  }
0x30: {  	v7 =	vld [tilespmem:s20+$0xFFFFFD00];
	v1 =	vadd.f32 v2, v1  }
0x31: {  	v2 =	vld [tilespmem:s20+$0xFFFFFC90]  }
0x32: {  	v44 =	vld [tilespmem:s20+$0xFFFFFD80];
	v0 =	vadd.f32 v0, v3;
	v1 =	vadd.f32 v4, v1  }
0x33: {  	v3 =	vld [tilespmem:s20+$0xFFFFFD10]  }
0x34: {  	v45 =	vld [tilespmem:s20+$0xFFFFFD90];
	v0 =	vadd.f32 v5, v0;
	v1 =	vadd.f32 v6, v1  }
0x35: {  	v46 =	vld [tilespmem:s20+$0xFFFFFE00]  }
0x36: {  	v47 =	vld [tilespmem:s20+$0xFFFFFE80];
	v0 =	vadd.f32 v2, v0;
	v1 =	vadd.f32 v7, v1  }
0x37: {  	v2 =	vld [tilespmem:s20+$0xFFFFFE10]  }
0x38: {  	v48 =	vld [tilespmem:s20+$0xFFFFFF00];
	v0 =	vadd.f32 v3, v0;
	v1 =	vadd.f32 v44, v1  }
0x39: {  	v3 =	vld [tilespmem:s20+$0xFFFFFE90]  }
0x3a: {  	v49 =	vld [tilespmem:s20+$0xFFFFFF10];
	v0 =	vadd.f32 v45, v0;
	v1 =	vadd.f32 v46, v1  }
0x3b: {  	v50 =	vld [tilespmem:s20+$0xFFFFFF80]  }
0x3c: {  	v51 =	vld [tilespmem:s20+$0x0];
	v0 =	vadd.f32 v2, v0;
	v1 =	vadd.f32 v47, v1  }
0x3d: {  	v2 =	vld [tilespmem:s20+$0xFFFFFF90]  }
0x3e: {  	v52 =	vld [tilespmem:s20+$0x80];
	v0 =	vadd.f32 v3, v0;
	v1 =	vadd.f32 v48, v1  }
0x3f: {  	v3 =	vld [tilespmem:s20+$0x10]  }
0x40: {  	v53 =	vld [tilespmem:s20+$0x90];
	v0 =	vadd.f32 v49, v0;
	v1 =	vadd.f32 v50, v1  }
0x41: {  	v54 =	vld [tilespmem:s20+$0x100]  }
0x42: {  	v55 =	vld [tilespmem:s20+$0x180];
	v0 =	vadd.f32 v2, v0;
	v1 =	vadd.f32 v51, v1  }
0x43: {  	v2 =	vld [tilespmem:s20+$0x110]  }
0x44: {  	v56 =	vld [tilespmem:s20+$0x200];
	v0 =	vadd.f32 v3, v0;
	v1 =	vadd.f32 v52, v1  }
0x45: {  	v3 =	vld [tilespmem:s20+$0x190]  }
0x46: {  	v57 =	vld [tilespmem:s20+$0x210];
	v0 =	vadd.f32 v53, v0;
	v1 =	vadd.f32 v54, v1  }
0x47: {  	v58 =	vld [tilespmem:s20+$0x280]  }
0x48: {  	v59 =	vld [tilespmem:s20+$0x300];
	v0 =	vadd.f32 v2, v0;
	v1 =	vadd.f32 v55, v1  }
0x49: {  	v2 =	vld [tilespmem:s20+$0x290]  }
0x4a: {  	v60 =	vld [tilespmem:s20+$0x380];
	v0 =	vadd.f32 v3, v0;
	v1 =	vadd.f32 v56, v1  }
0x4b: {  	v3 =	vld [tilespmem:s20+$0x310]  }
0x4c: {  	v61 =	vld [tilespmem:s20+$0x390];
	v0 =	vadd.f32 v57, v0;
	v1 =	vadd.f32 v58, v1  }
0x4d: {  	v62 =	vld [tilespmem:s20+$0x400]  }
0x4e: {  	v63 =	vld [tilespmem:s20+$0x480];
	v0 =	vadd.f32 v2, v0;
	v1 =	vadd.f32 v59, v1  }
0x4f: {  	v2 =	vld [tilespmem:s20+$0x410]  }
0x50: {  	v0 =	vadd.f32 v3, v0;
	v1 =	vadd.f32 v60, v1  }
0x51: {  	v3 =	vld [tilespmem:s20+$0x490]  }
0x52: {  	v0 =	vadd.f32 v61, v0;
	v1 =	vadd.f32 v62, v1;
	_ =	sdelay $0x1  }
0x53: {  	v0 =	vadd.f32 v2, v0;
	v1 =	vadd.f32 v63, v1;
	_ =	sdelay $0x1  }
0x54: {  	v0 =	vadd.f32 v3, v0;
	v1 =	vmul.f32 $5.000000070e-02, v1  }
0x55: {  	s22 =	simm.s32 $0x0  }
0x56: {  	s21 =	simm.s32 $0x80;
	v0 =	vmul.f32 $5.000000070e-02, v0;
	[tilespmem:s22+$0x14280] =	vst v1  }
.LBB2_2:
0x57: {  	p0 =	sne.s32 s21, $0xF80  }
0x58: {  	[tilespmem:s22+$0x14290] =	vst v0;
	s20 =	sadd.s32 $0xA00, s20;
	s22 =	smov.u32 s21;
	s21 =	sadd.s32 $0x80, s21  }
0x59: {  	v0 =	vld [tilespmem:s20+$0xFFFFFB90]  }
0x5a: {  	v1 =	vld [tilespmem:s20+$0xFFFFFB00]  }
0x5b: {  	v2 =	vld [tilespmem:s20+$0xFFFFFB80]  }
0x5c: {  	v3 =	vld [tilespmem:s20+$0xFFFFFB10]  }
0x5d: {  	v4 =	vld [tilespmem:s20+$0xFFFFFC00]  }
0x5e: {  	v5 =	vld [tilespmem:s20+$0xFFFFFC10]  }
0x5f: {  	v6 =	vld [tilespmem:s20+$0xFFFFFC80]  }
0x60: {  	v1 =	vadd.f32 v2, v1;
	v2 =	vld [tilespmem:s20+$0xFFFFFC90]  }
0x61: {  	v0 =	vadd.f32 v0, v3;
	v3 =	vld [tilespmem:s20+$0xFFFFFD00]  }
0x62: {  	v1 =	vadd.f32 v4, v1;
	v4 =	vld [tilespmem:s20+$0xFFFFFD10]  }
0x63: {  	v0 =	vadd.f32 v5, v0;
	v5 =	vld [tilespmem:s20+$0xFFFFFD80]  }
0x64: {  	v1 =	vadd.f32 v6, v1;
	v6 =	vld [tilespmem:s20+$0xFFFFFD90]  }
0x65: {  	v0 =	vadd.f32 v2, v0;
	v2 =	vld [tilespmem:s20+$0xFFFFFE00]  }
0x66: {  	v1 =	vadd.f32 v3, v1;
	v3 =	vld [tilespmem:s20+$0xFFFFFE10]  }
0x67: {  	v0 =	vadd.f32 v4, v0;
	v4 =	vld [tilespmem:s20+$0xFFFFFE80]  }
0x68: {  	v1 =	vadd.f32 v5, v1;
	v5 =	vld [tilespmem:s20+$0xFFFFFE90]  }
0x69: {  	v0 =	vadd.f32 v6, v0;
	v6 =	vld [tilespmem:s20+$0xFFFFFF00]  }
0x6a: {  	v1 =	vadd.f32 v2, v1;
	v2 =	vld [tilespmem:s20+$0xFFFFFF10]  }
0x6b: {  	v0 =	vadd.f32 v3, v0;
	v3 =	vld [tilespmem:s20+$0xFFFFFF80]  }
0x6c: {  	v1 =	vadd.f32 v4, v1;
	v4 =	vld [tilespmem:s20+$0xFFFFFF90]  }
0x6d: {  	v0 =	vadd.f32 v5, v0;
	v5 =	vld [tilespmem:s20+$0x0]  }
0x6e: {  	v1 =	vadd.f32 v6, v1;
	v6 =	vld [tilespmem:s20+$0x10]  }
0x6f: {  	v0 =	vadd.f32 v2, v0;
	v2 =	vld [tilespmem:s20+$0x80]  }
0x70: {  	v1 =	vadd.f32 v3, v1;
	v3 =	vld [tilespmem:s20+$0x90]  }
0x71: {  	v0 =	vadd.f32 v4, v0;
	v4 =	vld [tilespmem:s20+$0x100]  }
0x72: {  	v1 =	vadd.f32 v5, v1;
	v5 =	vld [tilespmem:s20+$0x110]  }
0x73: {  	v0 =	vadd.f32 v6, v0;
	v6 =	vld [tilespmem:s20+$0x180]  }
0x74: {  	v1 =	vadd.f32 v2, v1;
	v2 =	vld [tilespmem:s20+$0x190]  }
0x75: {  	v0 =	vadd.f32 v3, v0;
	v3 =	vld [tilespmem:s20+$0x200]  }
0x76: {  	v1 =	vadd.f32 v4, v1;
	v4 =	vld [tilespmem:s20+$0x210]  }
0x77: {  	v0 =	vadd.f32 v5, v0;
	v5 =	vld [tilespmem:s20+$0x280]  }
0x78: {  	v1 =	vadd.f32 v6, v1;
	v6 =	vld [tilespmem:s20+$0x290]  }
0x79: {  	v0 =	vadd.f32 v2, v0;
	v2 =	vld [tilespmem:s20+$0x300]  }
0x7a: {  	v1 =	vadd.f32 v3, v1;
	v3 =	vld [tilespmem:s20+$0x310]  }
0x7b: {  	v0 =	vadd.f32 v4, v0;
	v4 =	vld [tilespmem:s20+$0x380]  }
0x7c: {  	v1 =	vadd.f32 v5, v1;
	v5 =	vld [tilespmem:s20+$0x390]  }
0x7d: {  	v0 =	vadd.f32 v6, v0;
	v6 =	vld [tilespmem:s20+$0x400]  }
0x7e: {  	v1 =	vadd.f32 v2, v1;
	v2 =	vld [tilespmem:s20+$0x410]  }
0x7f: {  	v0 =	vadd.f32 v3, v0;
	v3 =	vld [tilespmem:s20+$0x480]  }
0x80: {  	v1 =	vadd.f32 v4, v1;
	v4 =	vld [tilespmem:s20+$0x490]  }
0x81: {  	v0 =	vadd.f32 v5, v0  }
0x82: {  	v1 =	vadd.f32 v6, v1  }
0x83: {  	v0 =	vadd.f32 v2, v0  }
.Ltmp0:
0x84: {  	v1 =	vadd.f32 v3, v1;
	(pc) =	sbr.rel @p0 .LBB2_2-.Ltmp0, $4  }
0x85: {  	v0 =	vadd.f32 v4, v0  }
0x86: {  	v1 =	vmul.f32 $5.000000070e-02, v1  }
0x87: {  	s22 =	sshra.s32 s22, $0x2;
	v0 =	vmul.f32 $5.000000070e-02, v0  }
0x88: {  	[tilespmem:s22+$0x14280] =	vst v1  }
0x89: {  	s19 =	sadd.s32 $0x1, s19  }
0x8a: {  	p0 =	sne.s32 s19, s6  }
.Ltmp1:
0x8b: {  	[tilespmem:s22+$0x14290] =	vst v0;
	(pc) =	sbr.rel @p0 .LBB2_1-.Ltmp1, $4  }
0x8c: {  	[hbm4b:s5+s3] =	stream.linear.scatter [tilespmem:s18], [sflag:$0x2], $0x400, $0x38;
	[tilespmem:$0x14680] =	vst v63  }
0x8d: {  	_ =	swait.ge [sflag:s7], $0x400  }
0x8e: {  	[sflag:s7] =	ssyncset.done $0x0  }
0x8f: {  	[sflag:s7] =	ssyncadd.s32 $0xFFFFFC00  }
0x90: {  	_ =	sfence.sel $0x180000  }
0x91: {  	[bflag:$0x0] =	sbarrier.arrive $0xFFFF  }
0x92: {  	p0 =	sne.s32 s0, $0x0;
	_ =	strace $0x90000047  }
0x93: {  	s0 =	sadd.s32 @!p0 $0x100000, s1;
	[bflag:$0x2] =	sbarrier.arrive $0xFFFF  }
0x94: {  	[sflag:s0] =	ssyncadd.tile.s32 @!p0 $0x1;
	_ =	shalt  }
.Lfunc_end2:
_tile_overlayer_lowered:
.L_overlay_start_2:
0x95: {  	(tag) =	ssettag $0x2  }
0x96: {  	s0 =	rddreg [dreg:$0x0];
	s2 =	stileid.u32  }
0x97: {  	s1 =	rddreg [dreg:$0x1];
	p0 =	sne.s32 s2, $0x0  }
0x98: {  	s3 =	rddreg [dreg:$0x2];
	[bflag:$0x3] =	sbarrier.arrive $0xFFFF;
	s2 =	simm.s32 @!p0 $0x1C02  }
0x99: {  	[timem:s3], [sflag:s2] =	dma.local @!p0 [hbm:s0], s1  }
0x9a: {  	s0 =	simm.s32 @!p0 $0x2  }
0x9b: {  	_ =	swait.ge @!p0 [sflag:s0], s1  }
0x9c: {  	s1 =	ssub.s32 @!p0 $0x0, s1;
	[sflag:s0] =	ssyncset.done @!p0 $0x0  }
0x9d: {  	[sflag:s0] =	ssyncadd.s32 @!p0 s1  }
0x9e: {  	[bflag:$0x3] =	sbarrier.arrive $0xFFFF  }
0x9f: {  	_ =	shalt  }

</sc_bundles>
